<compile_context>
chip_gen: v7x
topology: tpu7x:2x2x1
jax: 0.10.2.dev20260603
libtpu: 0.0.44.dev20260713+nightly
codegen_flags: <defaults>
</compile_context>

<pallas_src>
import functools

import jax
import jax.numpy as jnp
from jax import lax
from jax.experimental import pallas as pl
from jax.experimental.pallas import tpu as pltpu
from jax.experimental.pallas import tpu_sc as plsc

_CHUNK = 128
_NW = 32


def _sc_aggregate(table, src2, dst2, npad):
    n, d = table.shape
    n_rows = src2.shape[0]
    total = n_rows // 16
    cpt0 = int(round(total * 0.70)) & ~1
    cpt1 = total - cpt0
    assert cpt0 > 0 and cpt1 > 0 and cpt1 % 2 == 0
    mesh = plsc.VectorSubcoreMesh(core_axis_name="c", subcore_axis_name="s")
    rpt = npad // 16

    @functools.partial(
        pl.kernel,
        mesh=mesh,
        out_type=jax.ShapeDtypeStruct((2, npad, d), jnp.float32),
        scratch_types=[
            pltpu.VMEM((_CHUNK,), jnp.int32),
            pltpu.VMEM((_CHUNK,), jnp.int32),
            pltpu.VMEM((_CHUNK,), jnp.int32),
            pltpu.VMEM((_CHUNK,), jnp.int32),
            pltpu.VMEM((_CHUNK, d), jnp.float32),
            pltpu.VMEM((_CHUNK, d), jnp.float32),
            pltpu.VMEM_SHARED((npad, d), jnp.float32),
            pltpu.SemaphoreType.DMA,
            pltpu.SemaphoreType.DMA,
            pltpu.SemaphoreType.DMA,
            pltpu.SemaphoreType.DMA,
        ],
    )
    def agg_kernel(table_hbm, src_hbm, dst_hbm, zeros_hbm, out_hbm,
                   src_a, dst_a, src_b, dst_b, rows_a, rows_b, acc_sh,
                   sem_a, sem_b, sem_ra, sem_rb):
        cid = lax.axis_index("c")
        sid = lax.axis_index("s")

        pltpu.sync_copy(zeros_hbm.at[pl.ds(sid * rpt, rpt)],
                        acc_sh.at[pl.ds(sid * rpt, rpt)])
        plsc.subcore_barrier()

        npairs = jnp.where(cid == 0, cpt0 // 2, cpt1 // 2)
        row0 = jnp.where(cid == 0, sid * cpt0, 16 * cpt0 + sid * cpt1)

        pltpu.async_copy(src_hbm.at[row0], src_a, sem_a)
        pltpu.async_copy(dst_hbm.at[row0], dst_a, sem_a)
        pltpu.async_copy(src_hbm.at[row0 + 1], src_b, sem_b)
        pltpu.async_copy(dst_hbm.at[row0 + 1], dst_b, sem_b)
        pltpu.make_async_copy(src_hbm.at[row0], src_a, sem_a).wait()
        pltpu.make_async_copy(dst_hbm.at[row0], dst_a, sem_a).wait()
        pltpu.async_copy(table_hbm.at[src_a], rows_a, sem_ra)

        def pair(i, carry):
            j = row0 + 2 * i
            not_last = i < npairs - 1
            pltpu.make_async_copy(table_hbm.at[src_a], rows_a, sem_ra).wait()
            pltpu.make_async_copy(src_hbm.at[j + 1], src_b, sem_b).wait()
            pltpu.make_async_copy(dst_hbm.at[j + 1], dst_b, sem_b).wait()
            pltpu.async_copy(table_hbm.at[src_b], rows_b, sem_rb)
            pltpu.sync_copy(rows_a, acc_sh.at[dst_a], add=True)

            @pl.when(not_last)
            def _pre_a():
                pltpu.async_copy(src_hbm.at[j + 2], src_a, sem_a)
                pltpu.async_copy(dst_hbm.at[j + 2], dst_a, sem_a)

            pltpu.make_async_copy(table_hbm.at[src_b], rows_b, sem_rb).wait()

            @pl.when(not_last)
            def _next_a():
                pltpu.make_async_copy(src_hbm.at[j + 2], src_a, sem_a).wait()
                pltpu.make_async_copy(dst_hbm.at[j + 2], dst_a, sem_a).wait()
                pltpu.async_copy(table_hbm.at[src_a], rows_a, sem_ra)

            pltpu.sync_copy(rows_b, acc_sh.at[dst_b], add=True)

            @pl.when(not_last)
            def _pre_b():
                pltpu.async_copy(src_hbm.at[j + 3], src_b, sem_b)
                pltpu.async_copy(dst_hbm.at[j + 3], dst_b, sem_b)

            return carry

        lax.fori_loop(0, npairs, pair, 0)
        plsc.subcore_barrier()

        pltpu.sync_copy(acc_sh.at[pl.ds(sid * rpt, rpt)],
                        out_hbm.at[cid, pl.ds(sid * rpt, rpt)])

    zeros = jnp.zeros((npad, d), jnp.float32)
    return agg_kernel(table, src2, dst2, zeros)


def _tc_dense(parts, x_cur, onehot, hw_t, hb, ww_t, wb, blk):
    n, d = x_cur.shape
    fp = ww_t.shape[1]
    g = onehot.shape[1]
    grid = n // blk
    def body(parts_ref, x_ref, oh_ref, hwt_ref, hb_ref, wwt_ref, wb_ref,
             upd_ref, fp_ref):
        agg = parts_ref[0] + parts_ref[1] + x_ref[...]
        pre = jnp.dot(agg, hwt_ref[...], preferred_element_type=jnp.float32)
        pre = pre + hb_ref[...]
        upd = 1.0 / (1.0 + jnp.exp(-pre))
        upd_ref[...] = upd
        logits = jnp.dot(upd, wwt_ref[...], preferred_element_type=jnp.float32)
        logits = logits + wb_ref[...]
        m = jnp.max(logits, axis=-1, keepdims=True)
        e = jnp.exp(logits - m)
        p = e / jnp.sum(e, axis=-1, keepdims=True)
        contrib = lax.dot_general(oh_ref[...], p, (((0,), (0,)), ((), ())),
                                  preferred_element_type=jnp.float32)

        @pl.when(pl.program_id(0) == 0)
        def _init():
            fp_ref[...] = contrib

        @pl.when(pl.program_id(0) != 0)
        def _acc():
            fp_ref[...] += contrib

    return pl.pallas_call(
        body,
        grid=(grid,),
        in_specs=[
            pl.BlockSpec((2, blk, d), lambda i: (0, i, 0)),
            pl.BlockSpec((blk, d), lambda i: (i, 0)),
            pl.BlockSpec((blk, g), lambda i: (i, 0)),
            pl.BlockSpec((d, d), lambda i: (0, 0)),
            pl.BlockSpec((1, d), lambda i: (0, 0)),
            pl.BlockSpec((d, fp), lambda i: (0, 0)),
            pl.BlockSpec((1, fp), lambda i: (0, 0)),
        ],
        out_specs=[
            pl.BlockSpec((blk, d), lambda i: (i, 0)),
            pl.BlockSpec((g, fp), lambda i: (0, 0)),
        ],
        out_shape=[
            jax.ShapeDtypeStruct((n, d), jnp.float32),
            jax.ShapeDtypeStruct((g, fp), jnp.float32),
        ],
    )(parts, x_cur, onehot, hw_t, hb, ww_t, wb)


def kernel(x, edge_index, batch, H1_w, H1_b, W1_w, W1_b, H2_w, H2_b, W2_w, W2_b):
    n, d = x.shape
    fp = W1_w.shape[0]
    g = 64
    e = edge_index.shape[1]
    npad = ((n + 1 + 255) // 256) * 256

    q = 32 * _CHUNK
    ep = ((e + q - 1) // q) * q
    pad = ep - e
    src = jnp.concatenate(
        [edge_index[0].astype(jnp.int32), jnp.zeros((pad,), jnp.int32)])
    dst = jnp.concatenate(
        [edge_index[1].astype(jnp.int32), jnp.full((pad,), n, jnp.int32)])
    src = src.reshape(-1, _CHUNK)
    dst = dst.reshape(-1, _CHUNK)

    onehot = (batch[:, None] == jnp.arange(g, dtype=batch.dtype)[None, :])
    onehot = onehot.astype(jnp.float32)
    h1t, w1t = H1_w.T, W1_w.T
    h2t, w2t = H2_w.T, W2_w.T
    h1b, w1b = H1_b.reshape(1, d), W1_b.reshape(1, fp)
    h2b, w2b = H2_b.reshape(1, d), W2_b.reshape(1, fp)

    blk = 400
    parts1 = _sc_aggregate(x, src, dst, npad)
    upd1, fp1 = _tc_dense(parts1, x, onehot, h1t, h1b, w1t, w1b, blk)
    parts2 = _sc_aggregate(upd1, src, dst, npad)
    _, fp2 = _tc_dense(parts2, upd1, onehot, h2t, h2b, w2t, w2b, blk)
    return fp1 + fp2

# --- scband reference (transcript-rebuilt; emitter-appended) ---
"""Pipeline reference for scband-neural-fp-25434796327532 (READ-ONLY COPY).

The authoritative reference and input builder live on the scoring server;
editing this copy changes nothing except your own understanding.
"""

import jax, jax.numpy as jnp
import numpy as np

N = 10000
E = 320000
D = 128
FP = 2048
G = 64


def setup_inputs(seed: int = 0) -> dict:
    key = jax.random.key(seed)
    ks = jax.random.split(key, 12)
    x = jax.random.normal(ks[0], (N, D), dtype=jnp.float32)
    edge_index = jax.random.randint(ks[1], (2, E), 0, N)
    batch = jnp.sort(jax.random.randint(ks[2], (N,), 0, G))
    s = 1.0 / np.sqrt(D)
    H1_w = jax.random.uniform(ks[3], (D, D), jnp.float32, -s, s)
    H1_b = jax.random.uniform(ks[4], (D,), jnp.float32, -s, s)
    W1_w = jax.random.uniform(ks[5], (FP, D), jnp.float32, -s, s)
    W1_b = jax.random.uniform(ks[6], (FP,), jnp.float32, -s, s)
    H2_w = jax.random.uniform(ks[7], (D, D), jnp.float32, -s, s)
    H2_b = jax.random.uniform(ks[8], (D,), jnp.float32, -s, s)
    W2_w = jax.random.uniform(ks[9], (FP, D), jnp.float32, -s, s)
    W2_b = jax.random.uniform(ks[10], (FP,), jnp.float32, -s, s)
    return {"x": x, "edge_index": edge_index, "batch": batch,
            "H1_w": H1_w, "H1_b": H1_b, "W1_w": W1_w, "W1_b": W1_b,
            "H2_w": H2_w, "H2_b": H2_b, "W2_w": W2_w, "W2_b": W2_b}


def reference(x, edge_index, batch, H1_w, H1_b, W1_w, W1_b, H2_w, H2_b, W2_w, W2_b):
    n = x.shape[0]
    loop_ids = jnp.arange(n, dtype=edge_index.dtype)
    src = jnp.concatenate([edge_index[0], loop_ids])
    dst = jnp.concatenate([edge_index[1], loop_ids])
    fingerprint = jnp.zeros((n, FP), dtype=jnp.float32)
    out = x
    for (Hw, Hb, Ww, Wb) in ((H1_w, H1_b, W1_w, W1_b), (H2_w, H2_b, W2_w, W2_b)):
        # message: x_j gathered from source nodes; aggr='add' scatter to dst (incl. self loops)
        msgs = jnp.take(out, src, axis=0)
        agg = jax.ops.segment_sum(msgs, dst, num_segments=n)
        # update
        updated_atom_features = jax.nn.sigmoid(agg @ Hw.T + Hb)
        updated_fingerprint = jax.nn.softmax(updated_atom_features @ Ww.T + Wb, axis=-1)
        out = updated_atom_features
        fingerprint = fingerprint + updated_fingerprint
    # scatter_add over graph ids
    return jax.ops.segment_sum(fingerprint, batch, num_segments=G)

if __name__ == "__main__":
    import jax
    _d = setup_inputs()
    print(jax.jit(kernel)(*tuple(_d.values())))

</pallas_src>

<mosaic_0001>
#map = affine_map<(d0, d1) -> (0, 0)>
#map1 = affine_map<(d0, d1) -> (0, 0, 0)>
module attributes {stable_mosaic.version = 14 : i64} {
  func.func @agg_kernel(%arg0: i32, %arg1: i32, %arg2: memref<10000x128xf32, #tpu.memory_space<hbm>>, %arg3: memref<2528x128xi32, #tpu.memory_space<hbm>>, %arg4: memref<2528x128xi32, #tpu.memory_space<hbm>>, %arg5: memref<10240x128xf32, #tpu.memory_space<hbm>>, %arg6: memref<2x10240x128xf32, #tpu.memory_space<hbm>>, %arg7: memref<128xi32, #tpu.memory_space<vmem>>, %arg8: memref<128xi32, #tpu.memory_space<vmem>>, %arg9: memref<128xi32, #tpu.memory_space<vmem>>, %arg10: memref<128xi32, #tpu.memory_space<vmem>>, %arg11: memref<128x128xf32, #tpu.memory_space<vmem>>, %arg12: memref<128x128xf32, #tpu.memory_space<vmem>>, %arg13: memref<10240x128xf32, #tpu.memory_space<vmem_shared>>, %arg14: memref<!tpu.dma_semaphore, #tpu.memory_space<semaphore_mem>>, %arg15: memref<!tpu.dma_semaphore, #tpu.memory_space<semaphore_mem>>, %arg16: memref<!tpu.dma_semaphore, #tpu.memory_space<semaphore_mem>>, %arg17: memref<!tpu.dma_semaphore, #tpu.memory_space<semaphore_mem>>) attributes {dimension_semantics = [#tpu.dimension_semantics<core_parallel>, #tpu.dimension_semantics<subcore_parallel>], iteration_bounds = array<i64: 2, 16>, scalar_prefetch = 0 : i64, scratch_operands = 11 : i64, tpu.core_type = #tpu.core_type<sc_vector_subcore>, window_params = [{transform_indices = #map}, {transform_indices = #map}, {transform_indices = #map}, {transform_indices = #map}, {transform_indices = #map1}]} {
    %mul3A = arith.constant 640 : i32
    %mul3A_0 = arith.muli %arg1, %mul3A : i32
    %mul3A_1 = arith.constant 640 : i32
    %mul3A_2 = arith.muli %arg1, %mul3A_1 : i32
    "tpu.region"() ({
      %run_scoped3A = tpu.sem_alloc : memref<!tpu.dma_semaphore, #tpu.memory_space<semaphore_mem>>
      %dma_start3A_68 = arith.constant 0 : i32
      %dma_start3A_69 = tpu.memref_slice %arg13[%mul3A_2, %dma_start3A_68] : memref<10240x128xf32, #tpu.memory_space<vmem_shared>> -> memref<640x128xf32, #tpu.memory_space<vmem_shared>>
      %dma_start3A_70 = arith.constant 0 : i32
      %dma_start3A_71 = tpu.memref_slice %arg5[%mul3A_0, %dma_start3A_70] : memref<10240x128xf32, #tpu.memory_space<hbm>> -> memref<640x128xf32, #tpu.memory_space<hbm>>
      tpu.enqueue_dma source(%dma_start3A_71 : memref<640x128xf32, #tpu.memory_space<hbm>>) target(%dma_start3A_69 : memref<640x128xf32, #tpu.memory_space<vmem_shared>>) target_semaphore(%run_scoped3A : memref<!tpu.dma_semaphore, #tpu.memory_space<semaphore_mem>>)
      %dma_wait3A_72 = arith.constant 0 : i32
      %dma_wait3A_73 = tpu.memref_slice %arg13[%mul3A_2, %dma_wait3A_72] : memref<10240x128xf32, #tpu.memory_space<vmem_shared>> -> memref<640x128xf32, #tpu.memory_space<vmem_shared>>
      %dma_wait3A_74 = arith.constant 0 : i32
      %dma_wait3A_75 = tpu.memref_slice %arg5[%mul3A_0, %dma_wait3A_74] : memref<10240x128xf32, #tpu.memory_space<hbm>> -> memref<640x128xf32, #tpu.memory_space<hbm>>
      tpu.wait_dma2 semaphore(%run_scoped3A : memref<!tpu.dma_semaphore, #tpu.memory_space<semaphore_mem>>) src(%dma_wait3A_75 : memref<640x128xf32, #tpu.memory_space<hbm>>) dst(%dma_wait3A_73 : memref<640x128xf32, #tpu.memory_space<vmem_shared>>)
      tpu.yield
    }) : () -> ()
    %barrier3A = arith.constant 0 : index
    tpu.barrier barrier_id(%barrier3A)
    %eq3A = arith.constant 0 : i32
    %eq3A_3 = arith.cmpi eq, %arg0, %eq3A : i32
    %jit3A = arith.constant 55 : i32
    %jit3A_4 = arith.constant 24 : i32
    %select_n3A = arith.select %eq3A_3, %jit3A, %jit3A_4 : i32
    %eq3A_5 = arith.constant 0 : i32
    %eq3A_6 = arith.cmpi eq, %arg0, %eq3A_5 : i32
    %mul3A_7 = arith.constant 110 : i32
    %mul3A_8 = arith.muli %arg1, %mul3A_7 : i32
    %mul3A_9 = arith.constant 48 : i32
    %mul3A_10 = arith.muli %arg1, %mul3A_9 : i32
    %add3A = arith.constant 1760 : i32
    %add3A_11 = arith.addi %add3A, %mul3A_10 : i32
    %select_n3A_12 = arith.select %eq3A_6, %mul3A_8, %add3A_11 : i32
    %dma_start3A = arith.constant 0 : i32
    %dma_start3A_13 = tpu.memref_slice %arg3[%select_n3A_12, %dma_start3A] : memref<2528x128xi32, #tpu.memory_space<hbm>> -> memref<1x128xi32, #tpu.memory_space<hbm>>
    %dma_start3A_14 = tpu.memref_squeeze %dma_start3A_13 : memref<1x128xi32, #tpu.memory_space<hbm>> -> memref<128xi32, #tpu.memory_space<hbm>>
    %dma_start3A_15 = arith.constant 0 : i32
    %dma_start3A_16 = tpu.memref_slice %arg3[%select_n3A_12, %dma_start3A_15] : memref<2528x128xi32, #tpu.memory_space<hbm>> -> memref<1x128xi32, #tpu.memory_space<hbm>>
    %dma_start3A_17 = tpu.memref_squeeze %dma_start3A_16 : memref<1x128xi32, #tpu.memory_space<hbm>> -> memref<128xi32, #tpu.memory_space<hbm>>
    tpu.enqueue_dma source(%dma_start3A_17 : memref<128xi32, #tpu.memory_space<hbm>>) target(%arg7 : memref<128xi32, #tpu.memory_space<vmem>>) target_semaphore(%arg14 : memref<!tpu.dma_semaphore, #tpu.memory_space<semaphore_mem>>)
    %dma_start3A_18 = arith.constant 0 : i32
    %dma_start3A_19 = tpu.memref_slice %arg4[%select_n3A_12, %dma_start3A_18] : memref<2528x128xi32, #tpu.memory_space<hbm>> -> memref<1x128xi32, #tpu.memory_space<hbm>>
    %dma_start3A_20 = tpu.memref_squeeze %dma_start3A_19 : memref<1x128xi32, #tpu.memory_space<hbm>> -> memref<128xi32, #tpu.memory_space<hbm>>
    %dma_start3A_21 = arith.constant 0 : i32
    %dma_start3A_22 = tpu.memref_slice %arg4[%select_n3A_12, %dma_start3A_21] : memref<2528x128xi32, #tpu.memory_space<hbm>> -> memref<1x128xi32, #tpu.memory_space<hbm>>
    %dma_start3A_23 = tpu.memref_squeeze %dma_start3A_22 : memref<1x128xi32, #tpu.memory_space<hbm>> -> memref<128xi32, #tpu.memory_space<hbm>>
    tpu.enqueue_dma source(%dma_start3A_23 : memref<128xi32, #tpu.memory_space<hbm>>) target(%arg8 : memref<128xi32, #tpu.memory_space<vmem>>) target_semaphore(%arg14 : memref<!tpu.dma_semaphore, #tpu.memory_space<semaphore_mem>>)
    %add3A_24 = arith.constant 1 : i32
    %add3A_25 = arith.addi %select_n3A_12, %add3A_24 : i32
    %dma_start3A_26 = arith.constant 0 : i32
    %dma_start3A_27 = tpu.memref_slice %arg3[%add3A_25, %dma_start3A_26] : memref<2528x128xi32, #tpu.memory_space<hbm>> -> memref<1x128xi32, #tpu.memory_space<hbm>>
    %dma_start3A_28 = tpu.memref_squeeze %dma_start3A_27 : memref<1x128xi32, #tpu.memory_space<hbm>> -> memref<128xi32, #tpu.memory_space<hbm>>
    %dma_start3A_29 = arith.constant 0 : i32
    %dma_start3A_30 = tpu.memref_slice %arg3[%add3A_25, %dma_start3A_29] : memref<2528x128xi32, #tpu.memory_space<hbm>> -> memref<1x128xi32, #tpu.memory_space<hbm>>
    %dma_start3A_31 = tpu.memref_squeeze %dma_start3A_30 : memref<1x128xi32, #tpu.memory_space<hbm>> -> memref<128xi32, #tpu.memory_space<hbm>>
    tpu.enqueue_dma source(%dma_start3A_31 : memref<128xi32, #tpu.memory_space<hbm>>) target(%arg9 : memref<128xi32, #tpu.memory_space<vmem>>) target_semaphore(%arg15 : memref<!tpu.dma_semaphore, #tpu.memory_space<semaphore_mem>>)
    %add3A_32 = arith.constant 1 : i32
    %add3A_33 = arith.addi %select_n3A_12, %add3A_32 : i32
    %dma_start3A_34 = arith.constant 0 : i32
    %dma_start3A_35 = tpu.memref_slice %arg4[%add3A_33, %dma_start3A_34] : memref<2528x128xi32, #tpu.memory_space<hbm>> -> memref<1x128xi32, #tpu.memory_space<hbm>>
    %dma_start3A_36 = tpu.memref_squeeze %dma_start3A_35 : memref<1x128xi32, #tpu.memory_space<hbm>> -> memref<128xi32, #tpu.memory_space<hbm>>
    %dma_start3A_37 = arith.constant 0 : i32
    %dma_start3A_38 = tpu.memref_slice %arg4[%add3A_33, %dma_start3A_37] : memref<2528x128xi32, #tpu.memory_space<hbm>> -> memref<1x128xi32, #tpu.memory_space<hbm>>
    %dma_start3A_39 = tpu.memref_squeeze %dma_start3A_38 : memref<1x128xi32, #tpu.memory_space<hbm>> -> memref<128xi32, #tpu.memory_space<hbm>>
    tpu.enqueue_dma source(%dma_start3A_39 : memref<128xi32, #tpu.memory_space<hbm>>) target(%arg10 : memref<128xi32, #tpu.memory_space<vmem>>) target_semaphore(%arg15 : memref<!tpu.dma_semaphore, #tpu.memory_space<semaphore_mem>>)
    %dma_wait3A = arith.constant 0 : i32
    %dma_wait3A_40 = tpu.memref_slice %arg3[%select_n3A_12, %dma_wait3A] : memref<2528x128xi32, #tpu.memory_space<hbm>> -> memref<1x128xi32, #tpu.memory_space<hbm>>
    %dma_wait3A_41 = tpu.memref_squeeze %dma_wait3A_40 : memref<1x128xi32, #tpu.memory_space<hbm>> -> memref<128xi32, #tpu.memory_space<hbm>>
    %dma_wait3A_42 = arith.constant 0 : i32
    %dma_wait3A_43 = tpu.memref_slice %arg3[%select_n3A_12, %dma_wait3A_42] : memref<2528x128xi32, #tpu.memory_space<hbm>> -> memref<1x128xi32, #tpu.memory_space<hbm>>
    %dma_wait3A_44 = tpu.memref_squeeze %dma_wait3A_43 : memref<1x128xi32, #tpu.memory_space<hbm>> -> memref<128xi32, #tpu.memory_space<hbm>>
    tpu.wait_dma2 semaphore(%arg14 : memref<!tpu.dma_semaphore, #tpu.memory_space<semaphore_mem>>) src(%dma_wait3A_44 : memref<128xi32, #tpu.memory_space<hbm>>) dst(%arg7 : memref<128xi32, #tpu.memory_space<vmem>>)
    %dma_wait3A_45 = arith.constant 0 : i32
    %dma_wait3A_46 = tpu.memref_slice %arg4[%select_n3A_12, %dma_wait3A_45] : memref<2528x128xi32, #tpu.memory_space<hbm>> -> memref<1x128xi32, #tpu.memory_space<hbm>>
    %dma_wait3A_47 = tpu.memref_squeeze %dma_wait3A_46 : memref<1x128xi32, #tpu.memory_space<hbm>> -> memref<128xi32, #tpu.memory_space<hbm>>
    %dma_wait3A_48 = arith.constant 0 : i32
    %dma_wait3A_49 = tpu.memref_slice %arg4[%select_n3A_12, %dma_wait3A_48] : memref<2528x128xi32, #tpu.memory_space<hbm>> -> memref<1x128xi32, #tpu.memory_space<hbm>>
    %dma_wait3A_50 = tpu.memref_squeeze %dma_wait3A_49 : memref<1x128xi32, #tpu.memory_space<hbm>> -> memref<128xi32, #tpu.memory_space<hbm>>
    tpu.wait_dma2 semaphore(%arg14 : memref<!tpu.dma_semaphore, #tpu.memory_space<semaphore_mem>>) src(%dma_wait3A_50 : memref<128xi32, #tpu.memory_space<hbm>>) dst(%arg8 : memref<128xi32, #tpu.memory_space<vmem>>)
    %dma_start3A_51 = arith.constant 0 : i32
    %dma_start3A_52 = arith.constant 0 : i32
    %dma_start3A_53 = tpu.memref_slice %arg2[%dma_start3A_51, %dma_start3A_52] : memref<10000x128xf32, #tpu.memory_space<hbm>> -> memref<10000x128xf32, #tpu.memory_space<hbm>>
    tpu.enqueue_indirect_dma source(%dma_start3A_53 : memref<10000x128xf32, #tpu.memory_space<hbm>>) target(%arg11 : memref<128x128xf32, #tpu.memory_space<vmem>>) offsets(%arg7 : memref<128xi32, #tpu.memory_space<vmem>>) semaphore(%arg16 : memref<!tpu.dma_semaphore, #tpu.memory_space<semaphore_mem>>)
    %while3A = arith.constant 0 : i32
    %while3A_54 = arith.constant 0 : i32
    %while3A_55 = arith.subi %select_n3A, %while3A_54 : i32
    %while3A_56 = arith.addi %while3A_54, %while3A_55 : i32
    %while3A_57 = arith.constant 1 : i32
    %while3A_58 = arith.divsi %while3A_55, %while3A_57 : i32
    %while3A_59 = arith.muli %while3A_58, %while3A_57 : i32
    %while3A_60 = arith.addi %while3A_54, %while3A_59 : i32
    %while3A_61 = arith.constant 1 : i32
    scf.for %while3A_68 = %while3A_54 to %while3A_60 step %while3A_61  : i32 {
      %mul3A_69 = arith.constant 2 : i32
      %mul3A_70 = arith.muli %mul3A_69, %while3A_68 : i32
      %add3A_71 = arith.addi %select_n3A_12, %mul3A_70 : i32
      %sub3A = arith.constant 1 : i32
      %sub3A_72 = arith.subi %select_n3A, %sub3A : i32
      %lt3A = arith.cmpi slt, %while3A_68, %sub3A_72 : i32
      %dma_wait3A_73 = arith.constant 0 : i32
      %dma_wait3A_74 = arith.constant 0 : i32
      %dma_wait3A_75 = tpu.memref_slice %arg2[%dma_wait3A_73, %dma_wait3A_74] : memref<10000x128xf32, #tpu.memory_space<hbm>> -> memref<10000x128xf32, #tpu.memory_space<hbm>>
      tpu.wait_indirect_dma semaphore(%arg16 : memref<!tpu.dma_semaphore, #tpu.memory_space<semaphore_mem>>) src(%dma_wait3A_75 : memref<10000x128xf32, #tpu.memory_space<hbm>>) dst(%arg11 : memref<128x128xf32, #tpu.memory_space<vmem>>)
      %add3A_76 = arith.constant 1 : i32
      %add3A_77 = arith.addi %add3A_71, %add3A_76 : i32
      %dma_wait3A_78 = arith.constant 0 : i32
      %dma_wait3A_79 = tpu.memref_slice %arg3[%add3A_77, %dma_wait3A_78] : memref<2528x128xi32, #tpu.memory_space<hbm>> -> memref<1x128xi32, #tpu.memory_space<hbm>>
      %dma_wait3A_80 = tpu.memref_squeeze %dma_wait3A_79 : memref<1x128xi32, #tpu.memory_space<hbm>> -> memref<128xi32, #tpu.memory_space<hbm>>
      %dma_wait3A_81 = arith.constant 0 : i32
      %dma_wait3A_82 = tpu.memref_slice %arg3[%add3A_77, %dma_wait3A_81] : memref<2528x128xi32, #tpu.memory_space<hbm>> -> memref<1x128xi32, #tpu.memory_space<hbm>>
      %dma_wait3A_83 = tpu.memref_squeeze %dma_wait3A_82 : memref<1x128xi32, #tpu.memory_space<hbm>> -> memref<128xi32, #tpu.memory_space<hbm>>
      tpu.wait_dma2 semaphore(%arg15 : memref<!tpu.dma_semaphore, #tpu.memory_space<semaphore_mem>>) src(%dma_wait3A_83 : memref<128xi32, #tpu.memory_space<hbm>>) dst(%arg9 : memref<128xi32, #tpu.memory_space<vmem>>)
      %add3A_84 = arith.constant 1 : i32
      %add3A_85 = arith.addi %add3A_71, %add3A_84 : i32
      %dma_wait3A_86 = arith.constant 0 : i32
      %dma_wait3A_87 = tpu.memref_slice %arg4[%add3A_85, %dma_wait3A_86] : memref<2528x128xi32, #tpu.memory_space<hbm>> -> memref<1x128xi32, #tpu.memory_space<hbm>>
      %dma_wait3A_88 = tpu.memref_squeeze %dma_wait3A_87 : memref<1x128xi32, #tpu.memory_space<hbm>> -> memref<128xi32, #tpu.memory_space<hbm>>
      %dma_wait3A_89 = arith.constant 0 : i32
      %dma_wait3A_90 = tpu.memref_slice %arg4[%add3A_85, %dma_wait3A_89] : memref<2528x128xi32, #tpu.memory_space<hbm>> -> memref<1x128xi32, #tpu.memory_space<hbm>>
      %dma_wait3A_91 = tpu.memref_squeeze %dma_wait3A_90 : memref<1x128xi32, #tpu.memory_space<hbm>> -> memref<128xi32, #tpu.memory_space<hbm>>
      tpu.wait_dma2 semaphore(%arg15 : memref<!tpu.dma_semaphore, #tpu.memory_space<semaphore_mem>>) src(%dma_wait3A_91 : memref<128xi32, #tpu.memory_space<hbm>>) dst(%arg10 : memref<128xi32, #tpu.memory_space<vmem>>)
      %dma_start3A_92 = arith.constant 0 : i32
      %dma_start3A_93 = arith.constant 0 : i32
      %dma_start3A_94 = tpu.memref_slice %arg2[%dma_start3A_92, %dma_start3A_93] : memref<10000x128xf32, #tpu.memory_space<hbm>> -> memref<10000x128xf32, #tpu.memory_space<hbm>>
      tpu.enqueue_indirect_dma source(%dma_start3A_94 : memref<10000x128xf32, #tpu.memory_space<hbm>>) target(%arg12 : memref<128x128xf32, #tpu.memory_space<vmem>>) offsets(%arg9 : memref<128xi32, #tpu.memory_space<vmem>>) semaphore(%arg17 : memref<!tpu.dma_semaphore, #tpu.memory_space<semaphore_mem>>)
      "tpu.region"() ({
        %run_scoped3A = tpu.sem_alloc : memref<!tpu.dma_semaphore, #tpu.memory_space<semaphore_mem>>
        %dma_start3A_105 = arith.constant 0 : i32
        %dma_start3A_106 = arith.constant 0 : i32
        %dma_start3A_107 = tpu.memref_slice %arg13[%dma_start3A_105, %dma_start3A_106] : memref<10240x128xf32, #tpu.memory_space<vmem_shared>> -> memref<10240x128xf32, #tpu.memory_space<vmem_shared>>
        tpu.enqueue_indirect_dma source(%arg11 : memref<128x128xf32, #tpu.memory_space<vmem>>) target(%dma_start3A_107 : memref<10240x128xf32, #tpu.memory_space<vmem_shared>>) offsets(%arg8 : memref<128xi32, #tpu.memory_space<vmem>>) semaphore(%run_scoped3A : memref<!tpu.dma_semaphore, #tpu.memory_space<semaphore_mem>>) {add = true}
        %dma_wait3A_108 = arith.constant 0 : i32
        %dma_wait3A_109 = arith.constant 0 : i32
        %dma_wait3A_110 = tpu.memref_slice %arg13[%dma_wait3A_108, %dma_wait3A_109] : memref<10240x128xf32, #tpu.memory_space<vmem_shared>> -> memref<10240x128xf32, #tpu.memory_space<vmem_shared>>
        tpu.wait_indirect_dma semaphore(%run_scoped3A : memref<!tpu.dma_semaphore, #tpu.memory_space<semaphore_mem>>) src(%arg11 : memref<128x128xf32, #tpu.memory_space<vmem>>) dst(%dma_wait3A_110 : memref<10240x128xf32, #tpu.memory_space<vmem_shared>>)
        tpu.yield
      }) : () -> ()
      %convert_element_type3A = arith.extui %lt3A : i1 to i32
      %cond3A = arith.constant 0 : i32
      %cond3A_95 = arith.cmpi ne, %convert_element_type3A, %cond3A : i32
      scf.if %cond3A_95 {
        %add3A_105 = arith.constant 2 : i32
        %add3A_106 = arith.addi %add3A_71, %add3A_105 : i32
        %dma_start3A_107 = arith.constant 0 : i32
        %dma_start3A_108 = tpu.memref_slice %arg3[%add3A_106, %dma_start3A_107] : memref<2528x128xi32, #tpu.memory_space<hbm>> -> memref<1x128xi32, #tpu.memory_space<hbm>>
        %dma_start3A_109 = tpu.memref_squeeze %dma_start3A_108 : memref<1x128xi32, #tpu.memory_space<hbm>> -> memref<128xi32, #tpu.memory_space<hbm>>
        %dma_start3A_110 = arith.constant 0 : i32
        %dma_start3A_111 = tpu.memref_slice %arg3[%add3A_106, %dma_start3A_110] : memref<2528x128xi32, #tpu.memory_space<hbm>> -> memref<1x128xi32, #tpu.memory_space<hbm>>
        %dma_start3A_112 = tpu.memref_squeeze %dma_start3A_111 : memref<1x128xi32, #tpu.memory_space<hbm>> -> memref<128xi32, #tpu.memory_space<hbm>>
        tpu.enqueue_dma source(%dma_start3A_112 : memref<128xi32, #tpu.memory_space<hbm>>) target(%arg7 : memref<128xi32, #tpu.memory_space<vmem>>) target_semaphore(%arg14 : memref<!tpu.dma_semaphore, #tpu.memory_space<semaphore_mem>>)
        %add3A_113 = arith.constant 2 : i32
        %add3A_114 = arith.addi %add3A_71, %add3A_113 : i32
        %dma_start3A_115 = arith.constant 0 : i32
        %dma_start3A_116 = tpu.memref_slice %arg4[%add3A_114, %dma_start3A_115] : memref<2528x128xi32, #tpu.memory_space<hbm>> -> memref<1x128xi32, #tpu.memory_space<hbm>>
        %dma_start3A_117 = tpu.memref_squeeze %dma_start3A_116 : memref<1x128xi32, #tpu.memory_space<hbm>> -> memref<128xi32, #tpu.memory_space<hbm>>
        %dma_start3A_118 = arith.constant 0 : i32
        %dma_start3A_119 = tpu.memref_slice %arg4[%add3A_114, %dma_start3A_118] : memref<2528x128xi32, #tpu.memory_space<hbm>> -> memref<1x128xi32, #tpu.memory_space<hbm>>
        %dma_start3A_120 = tpu.memref_squeeze %dma_start3A_119 : memref<1x128xi32, #tpu.memory_space<hbm>> -> memref<128xi32, #tpu.memory_space<hbm>>
        tpu.enqueue_dma source(%dma_start3A_120 : memref<128xi32, #tpu.memory_space<hbm>>) target(%arg8 : memref<128xi32, #tpu.memory_space<vmem>>) target_semaphore(%arg14 : memref<!tpu.dma_semaphore, #tpu.memory_space<semaphore_mem>>)
      } else {
      }
      %dma_wait3A_96 = arith.constant 0 : i32
      %dma_wait3A_97 = arith.constant 0 : i32
      %dma_wait3A_98 = tpu.memref_slice %arg2[%dma_wait3A_96, %dma_wait3A_97] : memref<10000x128xf32, #tpu.memory_space<hbm>> -> memref<10000x128xf32, #tpu.memory_space<hbm>>
      tpu.wait_indirect_dma semaphore(%arg17 : memref<!tpu.dma_semaphore, #tpu.memory_space<semaphore_mem>>) src(%dma_wait3A_98 : memref<10000x128xf32, #tpu.memory_space<hbm>>) dst(%arg12 : memref<128x128xf32, #tpu.memory_space<vmem>>)
      %convert_element_type3A_99 = arith.extui %lt3A : i1 to i32
      %cond3A_100 = arith.constant 0 : i32
      %cond3A_101 = arith.cmpi ne, %convert_element_type3A_99, %cond3A_100 : i32
      scf.if %cond3A_101 {
        %add3A_105 = arith.constant 2 : i32
        %add3A_106 = arith.addi %add3A_71, %add3A_105 : i32
        %dma_wait3A_107 = arith.constant 0 : i32
        %dma_wait3A_108 = tpu.memref_slice %arg3[%add3A_106, %dma_wait3A_107] : memref<2528x128xi32, #tpu.memory_space<hbm>> -> memref<1x128xi32, #tpu.memory_space<hbm>>
        %dma_wait3A_109 = tpu.memref_squeeze %dma_wait3A_108 : memref<1x128xi32, #tpu.memory_space<hbm>> -> memref<128xi32, #tpu.memory_space<hbm>>
        %dma_wait3A_110 = arith.constant 0 : i32
        %dma_wait3A_111 = tpu.memref_slice %arg3[%add3A_106, %dma_wait3A_110] : memref<2528x128xi32, #tpu.memory_space<hbm>> -> memref<1x128xi32, #tpu.memory_space<hbm>>
        %dma_wait3A_112 = tpu.memref_squeeze %dma_wait3A_111 : memref<1x128xi32, #tpu.memory_space<hbm>> -> memref<128xi32, #tpu.memory_space<hbm>>
        tpu.wait_dma2 semaphore(%arg14 : memref<!tpu.dma_semaphore, #tpu.memory_space<semaphore_mem>>) src(%dma_wait3A_112 : memref<128xi32, #tpu.memory_space<hbm>>) dst(%arg7 : memref<128xi32, #tpu.memory_space<vmem>>)
        %add3A_113 = arith.constant 2 : i32
        %add3A_114 = arith.addi %add3A_71, %add3A_113 : i32
        %dma_wait3A_115 = arith.constant 0 : i32
        %dma_wait3A_116 = tpu.memref_slice %arg4[%add3A_114, %dma_wait3A_115] : memref<2528x128xi32, #tpu.memory_space<hbm>> -> memref<1x128xi32, #tpu.memory_space<hbm>>
        %dma_wait3A_117 = tpu.memref_squeeze %dma_wait3A_116 : memref<1x128xi32, #tpu.memory_space<hbm>> -> memref<128xi32, #tpu.memory_space<hbm>>
        %dma_wait3A_118 = arith.constant 0 : i32
        %dma_wait3A_119 = tpu.memref_slice %arg4[%add3A_114, %dma_wait3A_118] : memref<2528x128xi32, #tpu.memory_space<hbm>> -> memref<1x128xi32, #tpu.memory_space<hbm>>
        %dma_wait3A_120 = tpu.memref_squeeze %dma_wait3A_119 : memref<1x128xi32, #tpu.memory_space<hbm>> -> memref<128xi32, #tpu.memory_space<hbm>>
        tpu.wait_dma2 semaphore(%arg14 : memref<!tpu.dma_semaphore, #tpu.memory_space<semaphore_mem>>) src(%dma_wait3A_120 : memref<128xi32, #tpu.memory_space<hbm>>) dst(%arg8 : memref<128xi32, #tpu.memory_space<vmem>>)
        %dma_start3A_121 = arith.constant 0 : i32
        %dma_start3A_122 = arith.constant 0 : i32
        %dma_start3A_123 = tpu.memref_slice %arg2[%dma_start3A_121, %dma_start3A_122] : memref<10000x128xf32, #tpu.memory_space<hbm>> -> memref<10000x128xf32, #tpu.memory_space<hbm>>
        tpu.enqueue_indirect_dma source(%dma_start3A_123 : memref<10000x128xf32, #tpu.memory_space<hbm>>) target(%arg11 : memref<128x128xf32, #tpu.memory_space<vmem>>) offsets(%arg7 : memref<128xi32, #tpu.memory_space<vmem>>) semaphore(%arg16 : memref<!tpu.dma_semaphore, #tpu.memory_space<semaphore_mem>>)
      } else {
      }
      "tpu.region"() ({
        %run_scoped3A = tpu.sem_alloc : memref<!tpu.dma_semaphore, #tpu.memory_space<semaphore_mem>>
        %dma_start3A_105 = arith.constant 0 : i32
        %dma_start3A_106 = arith.constant 0 : i32
        %dma_start3A_107 = tpu.memref_slice %arg13[%dma_start3A_105, %dma_start3A_106] : memref<10240x128xf32, #tpu.memory_space<vmem_shared>> -> memref<10240x128xf32, #tpu.memory_space<vmem_shared>>
        tpu.enqueue_indirect_dma source(%arg12 : memref<128x128xf32, #tpu.memory_space<vmem>>) target(%dma_start3A_107 : memref<10240x128xf32, #tpu.memory_space<vmem_shared>>) offsets(%arg10 : memref<128xi32, #tpu.memory_space<vmem>>) semaphore(%run_scoped3A : memref<!tpu.dma_semaphore, #tpu.memory_space<semaphore_mem>>) {add = true}
        %dma_wait3A_108 = arith.constant 0 : i32
        %dma_wait3A_109 = arith.constant 0 : i32
        %dma_wait3A_110 = tpu.memref_slice %arg13[%dma_wait3A_108, %dma_wait3A_109] : memref<10240x128xf32, #tpu.memory_space<vmem_shared>> -> memref<10240x128xf32, #tpu.memory_space<vmem_shared>>
        tpu.wait_indirect_dma semaphore(%run_scoped3A : memref<!tpu.dma_semaphore, #tpu.memory_space<semaphore_mem>>) src(%arg12 : memref<128x128xf32, #tpu.memory_space<vmem>>) dst(%dma_wait3A_110 : memref<10240x128xf32, #tpu.memory_space<vmem_shared>>)
        tpu.yield
      }) : () -> ()
      %convert_element_type3A_102 = arith.extui %lt3A : i1 to i32
      %cond3A_103 = arith.constant 0 : i32
      %cond3A_104 = arith.cmpi ne, %convert_element_type3A_102, %cond3A_103 : i32
      scf.if %cond3A_104 {
        %add3A_105 = arith.constant 3 : i32
        %add3A_106 = arith.addi %add3A_71, %add3A_105 : i32
        %dma_start3A_107 = arith.constant 0 : i32
        %dma_start3A_108 = tpu.memref_slice %arg3[%add3A_106, %dma_start3A_107] : memref<2528x128xi32, #tpu.memory_space<hbm>> -> memref<1x128xi32, #tpu.memory_space<hbm>>
        %dma_start3A_109 = tpu.memref_squeeze %dma_start3A_108 : memref<1x128xi32, #tpu.memory_space<hbm>> -> memref<128xi32, #tpu.memory_space<hbm>>
        %dma_start3A_110 = arith.constant 0 : i32
        %dma_start3A_111 = tpu.memref_slice %arg3[%add3A_106, %dma_start3A_110] : memref<2528x128xi32, #tpu.memory_space<hbm>> -> memref<1x128xi32, #tpu.memory_space<hbm>>
        %dma_start3A_112 = tpu.memref_squeeze %dma_start3A_111 : memref<1x128xi32, #tpu.memory_space<hbm>> -> memref<128xi32, #tpu.memory_space<hbm>>
        tpu.enqueue_dma source(%dma_start3A_112 : memref<128xi32, #tpu.memory_space<hbm>>) target(%arg9 : memref<128xi32, #tpu.memory_space<vmem>>) target_semaphore(%arg15 : memref<!tpu.dma_semaphore, #tpu.memory_space<semaphore_mem>>)
        %add3A_113 = arith.constant 3 : i32
        %add3A_114 = arith.addi %add3A_71, %add3A_113 : i32
        %dma_start3A_115 = arith.constant 0 : i32
        %dma_start3A_116 = tpu.memref_slice %arg4[%add3A_114, %dma_start3A_115] : memref<2528x128xi32, #tpu.memory_space<hbm>> -> memref<1x128xi32, #tpu.memory_space<hbm>>
        %dma_start3A_117 = tpu.memref_squeeze %dma_start3A_116 : memref<1x128xi32, #tpu.memory_space<hbm>> -> memref<128xi32, #tpu.memory_space<hbm>>
        %dma_start3A_118 = arith.constant 0 : i32
        %dma_start3A_119 = tpu.memref_slice %arg4[%add3A_114, %dma_start3A_118] : memref<2528x128xi32, #tpu.memory_space<hbm>> -> memref<1x128xi32, #tpu.memory_space<hbm>>
        %dma_start3A_120 = tpu.memref_squeeze %dma_start3A_119 : memref<1x128xi32, #tpu.memory_space<hbm>> -> memref<128xi32, #tpu.memory_space<hbm>>
        tpu.enqueue_dma source(%dma_start3A_120 : memref<128xi32, #tpu.memory_space<hbm>>) target(%arg10 : memref<128xi32, #tpu.memory_space<vmem>>) target_semaphore(%arg15 : memref<!tpu.dma_semaphore, #tpu.memory_space<semaphore_mem>>)
      } else {
      }
    }
    %while3A_62 = arith.constant 1 : i32
    scf.for %while3A_68 = %while3A_60 to %while3A_56 step %while3A_62  : i32 {
      %mul3A_69 = arith.constant 2 : i32
      %mul3A_70 = arith.muli %mul3A_69, %while3A_68 : i32
      %add3A_71 = arith.addi %select_n3A_12, %mul3A_70 : i32
      %sub3A = arith.constant 1 : i32
      %sub3A_72 = arith.subi %select_n3A, %sub3A : i32
      %lt3A = arith.cmpi slt, %while3A_68, %sub3A_72 : i32
      %dma_wait3A_73 = arith.constant 0 : i32
      %dma_wait3A_74 = arith.constant 0 : i32
      %dma_wait3A_75 = tpu.memref_slice %arg2[%dma_wait3A_73, %dma_wait3A_74] : memref<10000x128xf32, #tpu.memory_space<hbm>> -> memref<10000x128xf32, #tpu.memory_space<hbm>>
      tpu.wait_indirect_dma semaphore(%arg16 : memref<!tpu.dma_semaphore, #tpu.memory_space<semaphore_mem>>) src(%dma_wait3A_75 : memref<10000x128xf32, #tpu.memory_space<hbm>>) dst(%arg11 : memref<128x128xf32, #tpu.memory_space<vmem>>)
      %add3A_76 = arith.constant 1 : i32
      %add3A_77 = arith.addi %add3A_71, %add3A_76 : i32
      %dma_wait3A_78 = arith.constant 0 : i32
      %dma_wait3A_79 = tpu.memref_slice %arg3[%add3A_77, %dma_wait3A_78] : memref<2528x128xi32, #tpu.memory_space<hbm>> -> memref<1x128xi32, #tpu.memory_space<hbm>>
      %dma_wait3A_80 = tpu.memref_squeeze %dma_wait3A_79 : memref<1x128xi32, #tpu.memory_space<hbm>> -> memref<128xi32, #tpu.memory_space<hbm>>
      %dma_wait3A_81 = arith.constant 0 : i32
      %dma_wait3A_82 = tpu.memref_slice %arg3[%add3A_77, %dma_wait3A_81] : memref<2528x128xi32, #tpu.memory_space<hbm>> -> memref<1x128xi32, #tpu.memory_space<hbm>>
      %dma_wait3A_83 = tpu.memref_squeeze %dma_wait3A_82 : memref<1x128xi32, #tpu.memory_space<hbm>> -> memref<128xi32, #tpu.memory_space<hbm>>
      tpu.wait_dma2 semaphore(%arg15 : memref<!tpu.dma_semaphore, #tpu.memory_space<semaphore_mem>>) src(%dma_wait3A_83 : memref<128xi32, #tpu.memory_space<hbm>>) dst(%arg9 : memref<128xi32, #tpu.memory_space<vmem>>)
      %add3A_84 = arith.constant 1 : i32
      %add3A_85 = arith.addi %add3A_71, %add3A_84 : i32
      %dma_wait3A_86 = arith.constant 0 : i32
      %dma_wait3A_87 = tpu.memref_slice %arg4[%add3A_85, %dma_wait3A_86] : memref<2528x128xi32, #tpu.memory_space<hbm>> -> memref<1x128xi32, #tpu.memory_space<hbm>>
      %dma_wait3A_88 = tpu.memref_squeeze %dma_wait3A_87 : memref<1x128xi32, #tpu.memory_space<hbm>> -> memref<128xi32, #tpu.memory_space<hbm>>
      %dma_wait3A_89 = arith.constant 0 : i32
      %dma_wait3A_90 = tpu.memref_slice %arg4[%add3A_85, %dma_wait3A_89] : memref<2528x128xi32, #tpu.memory_space<hbm>> -> memref<1x128xi32, #tpu.memory_space<hbm>>
      %dma_wait3A_91 = tpu.memref_squeeze %dma_wait3A_90 : memref<1x128xi32, #tpu.memory_space<hbm>> -> memref<128xi32, #tpu.memory_space<hbm>>
      tpu.wait_dma2 semaphore(%arg15 : memref<!tpu.dma_semaphore, #tpu.memory_space<semaphore_mem>>) src(%dma_wait3A_91 : memref<128xi32, #tpu.memory_space<hbm>>) dst(%arg10 : memref<128xi32, #tpu.memory_space<vmem>>)
      %dma_start3A_92 = arith.constant 0 : i32
      %dma_start3A_93 = arith.constant 0 : i32
      %dma_start3A_94 = tpu.memref_slice %arg2[%dma_start3A_92, %dma_start3A_93] : memref<10000x128xf32, #tpu.memory_space<hbm>> -> memref<10000x128xf32, #tpu.memory_space<hbm>>
      tpu.enqueue_indirect_dma source(%dma_start3A_94 : memref<10000x128xf32, #tpu.memory_space<hbm>>) target(%arg12 : memref<128x128xf32, #tpu.memory_space<vmem>>) offsets(%arg9 : memref<128xi32, #tpu.memory_space<vmem>>) semaphore(%arg17 : memref<!tpu.dma_semaphore, #tpu.memory_space<semaphore_mem>>)
      "tpu.region"() ({
        %run_scoped3A = tpu.sem_alloc : memref<!tpu.dma_semaphore, #tpu.memory_space<semaphore_mem>>
        %dma_start3A_105 = arith.constant 0 : i32
        %dma_start3A_106 = arith.constant 0 : i32
        %dma_start3A_107 = tpu.memref_slice %arg13[%dma_start3A_105, %dma_start3A_106] : memref<10240x128xf32, #tpu.memory_space<vmem_shared>> -> memref<10240x128xf32, #tpu.memory_space<vmem_shared>>
        tpu.enqueue_indirect_dma source(%arg11 : memref<128x128xf32, #tpu.memory_space<vmem>>) target(%dma_start3A_107 : memref<10240x128xf32, #tpu.memory_space<vmem_shared>>) offsets(%arg8 : memref<128xi32, #tpu.memory_space<vmem>>) semaphore(%run_scoped3A : memref<!tpu.dma_semaphore, #tpu.memory_space<semaphore_mem>>) {add = true}
        %dma_wait3A_108 = arith.constant 0 : i32
        %dma_wait3A_109 = arith.constant 0 : i32
        %dma_wait3A_110 = tpu.memref_slice %arg13[%dma_wait3A_108, %dma_wait3A_109] : memref<10240x128xf32, #tpu.memory_space<vmem_shared>> -> memref<10240x128xf32, #tpu.memory_space<vmem_shared>>
        tpu.wait_indirect_dma semaphore(%run_scoped3A : memref<!tpu.dma_semaphore, #tpu.memory_space<semaphore_mem>>) src(%arg11 : memref<128x128xf32, #tpu.memory_space<vmem>>) dst(%dma_wait3A_110 : memref<10240x128xf32, #tpu.memory_space<vmem_shared>>)
        tpu.yield
      }) : () -> ()
      %convert_element_type3A = arith.extui %lt3A : i1 to i32
      %cond3A = arith.constant 0 : i32
      %cond3A_95 = arith.cmpi ne, %convert_element_type3A, %cond3A : i32
      scf.if %cond3A_95 {
        %add3A_105 = arith.constant 2 : i32
        %add3A_106 = arith.addi %add3A_71, %add3A_105 : i32
        %dma_start3A_107 = arith.constant 0 : i32
        %dma_start3A_108 = tpu.memref_slice %arg3[%add3A_106, %dma_start3A_107] : memref<2528x128xi32, #tpu.memory_space<hbm>> -> memref<1x128xi32, #tpu.memory_space<hbm>>
        %dma_start3A_109 = tpu.memref_squeeze %dma_start3A_108 : memref<1x128xi32, #tpu.memory_space<hbm>> -> memref<128xi32, #tpu.memory_space<hbm>>
        %dma_start3A_110 = arith.constant 0 : i32
        %dma_start3A_111 = tpu.memref_slice %arg3[%add3A_106, %dma_start3A_110] : memref<2528x128xi32, #tpu.memory_space<hbm>> -> memref<1x128xi32, #tpu.memory_space<hbm>>
        %dma_start3A_112 = tpu.memref_squeeze %dma_start3A_111 : memref<1x128xi32, #tpu.memory_space<hbm>> -> memref<128xi32, #tpu.memory_space<hbm>>
        tpu.enqueue_dma source(%dma_start3A_112 : memref<128xi32, #tpu.memory_space<hbm>>) target(%arg7 : memref<128xi32, #tpu.memory_space<vmem>>) target_semaphore(%arg14 : memref<!tpu.dma_semaphore, #tpu.memory_space<semaphore_mem>>)
        %add3A_113 = arith.constant 2 : i32
        %add3A_114 = arith.addi %add3A_71, %add3A_113 : i32
        %dma_start3A_115 = arith.constant 0 : i32
        %dma_start3A_116 = tpu.memref_slice %arg4[%add3A_114, %dma_start3A_115] : memref<2528x128xi32, #tpu.memory_space<hbm>> -> memref<1x128xi32, #tpu.memory_space<hbm>>
        %dma_start3A_117 = tpu.memref_squeeze %dma_start3A_116 : memref<1x128xi32, #tpu.memory_space<hbm>> -> memref<128xi32, #tpu.memory_space<hbm>>
        %dma_start3A_118 = arith.constant 0 : i32
        %dma_start3A_119 = tpu.memref_slice %arg4[%add3A_114, %dma_start3A_118] : memref<2528x128xi32, #tpu.memory_space<hbm>> -> memref<1x128xi32, #tpu.memory_space<hbm>>
        %dma_start3A_120 = tpu.memref_squeeze %dma_start3A_119 : memref<1x128xi32, #tpu.memory_space<hbm>> -> memref<128xi32, #tpu.memory_space<hbm>>
        tpu.enqueue_dma source(%dma_start3A_120 : memref<128xi32, #tpu.memory_space<hbm>>) target(%arg8 : memref<128xi32, #tpu.memory_space<vmem>>) target_semaphore(%arg14 : memref<!tpu.dma_semaphore, #tpu.memory_space<semaphore_mem>>)
      } else {
      }
      %dma_wait3A_96 = arith.constant 0 : i32
      %dma_wait3A_97 = arith.constant 0 : i32
      %dma_wait3A_98 = tpu.memref_slice %arg2[%dma_wait3A_96, %dma_wait3A_97] : memref<10000x128xf32, #tpu.memory_space<hbm>> -> memref<10000x128xf32, #tpu.memory_space<hbm>>
      tpu.wait_indirect_dma semaphore(%arg17 : memref<!tpu.dma_semaphore, #tpu.memory_space<semaphore_mem>>) src(%dma_wait3A_98 : memref<10000x128xf32, #tpu.memory_space<hbm>>) dst(%arg12 : memref<128x128xf32, #tpu.memory_space<vmem>>)
      %convert_element_type3A_99 = arith.extui %lt3A : i1 to i32
      %cond3A_100 = arith.constant 0 : i32
      %cond3A_101 = arith.cmpi ne, %convert_element_type3A_99, %cond3A_100 : i32
      scf.if %cond3A_101 {
        %add3A_105 = arith.constant 2 : i32
        %add3A_106 = arith.addi %add3A_71, %add3A_105 : i32
        %dma_wait3A_107 = arith.constant 0 : i32
        %dma_wait3A_108 = tpu.memref_slice %arg3[%add3A_106, %dma_wait3A_107] : memref<2528x128xi32, #tpu.memory_space<hbm>> -> memref<1x128xi32, #tpu.memory_space<hbm>>
        %dma_wait3A_109 = tpu.memref_squeeze %dma_wait3A_108 : memref<1x128xi32, #tpu.memory_space<hbm>> -> memref<128xi32, #tpu.memory_space<hbm>>
        %dma_wait3A_110 = arith.constant 0 : i32
        %dma_wait3A_111 = tpu.memref_slice %arg3[%add3A_106, %dma_wait3A_110] : memref<2528x128xi32, #tpu.memory_space<hbm>> -> memref<1x128xi32, #tpu.memory_space<hbm>>
        %dma_wait3A_112 = tpu.memref_squeeze %dma_wait3A_111 : memref<1x128xi32, #tpu.memory_space<hbm>> -> memref<128xi32, #tpu.memory_space<hbm>>
        tpu.wait_dma2 semaphore(%arg14 : memref<!tpu.dma_semaphore, #tpu.memory_space<semaphore_mem>>) src(%dma_wait3A_112 : memref<128xi32, #tpu.memory_space<hbm>>) dst(%arg7 : memref<128xi32, #tpu.memory_space<vmem>>)
        %add3A_113 = arith.constant 2 : i32
        %add3A_114 = arith.addi %add3A_71, %add3A_113 : i32
        %dma_wait3A_115 = arith.constant 0 : i32
        %dma_wait3A_116 = tpu.memref_slice %arg4[%add3A_114, %dma_wait3A_115] : memref<2528x128xi32, #tpu.memory_space<hbm>> -> memref<1x128xi32, #tpu.memory_space<hbm>>
        %dma_wait3A_117 = tpu.memref_squeeze %dma_wait3A_116 : memref<1x128xi32, #tpu.memory_space<hbm>> -> memref<128xi32, #tpu.memory_space<hbm>>
        %dma_wait3A_118 = arith.constant 0 : i32
        %dma_wait3A_119 = tpu.memref_slice %arg4[%add3A_114, %dma_wait3A_118] : memref<2528x128xi32, #tpu.memory_space<hbm>> -> memref<1x128xi32, #tpu.memory_space<hbm>>
        %dma_wait3A_120 = tpu.memref_squeeze %dma_wait3A_119 : memref<1x128xi32, #tpu.memory_space<hbm>> -> memref<128xi32, #tpu.memory_space<hbm>>
        tpu.wait_dma2 semaphore(%arg14 : memref<!tpu.dma_semaphore, #tpu.memory_space<semaphore_mem>>) src(%dma_wait3A_120 : memref<128xi32, #tpu.memory_space<hbm>>) dst(%arg8 : memref<128xi32, #tpu.memory_space<vmem>>)
        %dma_start3A_121 = arith.constant 0 : i32
        %dma_start3A_122 = arith.constant 0 : i32
        %dma_start3A_123 = tpu.memref_slice %arg2[%dma_start3A_121, %dma_start3A_122] : memref<10000x128xf32, #tpu.memory_space<hbm>> -> memref<10000x128xf32, #tpu.memory_space<hbm>>
        tpu.enqueue_indirect_dma source(%dma_start3A_123 : memref<10000x128xf32, #tpu.memory_space<hbm>>) target(%arg11 : memref<128x128xf32, #tpu.memory_space<vmem>>) offsets(%arg7 : memref<128xi32, #tpu.memory_space<vmem>>) semaphore(%arg16 : memref<!tpu.dma_semaphore, #tpu.memory_space<semaphore_mem>>)
      } else {
      }
      "tpu.region"() ({
        %run_scoped3A = tpu.sem_alloc : memref<!tpu.dma_semaphore, #tpu.memory_space<semaphore_mem>>
        %dma_start3A_105 = arith.constant 0 : i32
        %dma_start3A_106 = arith.constant 0 : i32
        %dma_start3A_107 = tpu.memref_slice %arg13[%dma_start3A_105, %dma_start3A_106] : memref<10240x128xf32, #tpu.memory_space<vmem_shared>> -> memref<10240x128xf32, #tpu.memory_space<vmem_shared>>
        tpu.enqueue_indirect_dma source(%arg12 : memref<128x128xf32, #tpu.memory_space<vmem>>) target(%dma_start3A_107 : memref<10240x128xf32, #tpu.memory_space<vmem_shared>>) offsets(%arg10 : memref<128xi32, #tpu.memory_space<vmem>>) semaphore(%run_scoped3A : memref<!tpu.dma_semaphore, #tpu.memory_space<semaphore_mem>>) {add = true}
        %dma_wait3A_108 = arith.constant 0 : i32
        %dma_wait3A_109 = arith.constant 0 : i32
        %dma_wait3A_110 = tpu.memref_slice %arg13[%dma_wait3A_108, %dma_wait3A_109] : memref<10240x128xf32, #tpu.memory_space<vmem_shared>> -> memref<10240x128xf32, #tpu.memory_space<vmem_shared>>
        tpu.wait_indirect_dma semaphore(%run_scoped3A : memref<!tpu.dma_semaphore, #tpu.memory_space<semaphore_mem>>) src(%arg12 : memref<128x128xf32, #tpu.memory_space<vmem>>) dst(%dma_wait3A_110 : memref<10240x128xf32, #tpu.memory_space<vmem_shared>>)
        tpu.yield
      }) : () -> ()
      %convert_element_type3A_102 = arith.extui %lt3A : i1 to i32
      %cond3A_103 = arith.constant 0 : i32
      %cond3A_104 = arith.cmpi ne, %convert_element_type3A_102, %cond3A_103 : i32
      scf.if %cond3A_104 {
        %add3A_105 = arith.constant 3 : i32
        %add3A_106 = arith.addi %add3A_71, %add3A_105 : i32
        %dma_start3A_107 = arith.constant 0 : i32
        %dma_start3A_108 = tpu.memref_slice %arg3[%add3A_106, %dma_start3A_107] : memref<2528x128xi32, #tpu.memory_space<hbm>> -> memref<1x128xi32, #tpu.memory_space<hbm>>
        %dma_start3A_109 = tpu.memref_squeeze %dma_start3A_108 : memref<1x128xi32, #tpu.memory_space<hbm>> -> memref<128xi32, #tpu.memory_space<hbm>>
        %dma_start3A_110 = arith.constant 0 : i32
        %dma_start3A_111 = tpu.memref_slice %arg3[%add3A_106, %dma_start3A_110] : memref<2528x128xi32, #tpu.memory_space<hbm>> -> memref<1x128xi32, #tpu.memory_space<hbm>>
        %dma_start3A_112 = tpu.memref_squeeze %dma_start3A_111 : memref<1x128xi32, #tpu.memory_space<hbm>> -> memref<128xi32, #tpu.memory_space<hbm>>
        tpu.enqueue_dma source(%dma_start3A_112 : memref<128xi32, #tpu.memory_space<hbm>>) target(%arg9 : memref<128xi32, #tpu.memory_space<vmem>>) target_semaphore(%arg15 : memref<!tpu.dma_semaphore, #tpu.memory_space<semaphore_mem>>)
        %add3A_113 = arith.constant 3 : i32
        %add3A_114 = arith.addi %add3A_71, %add3A_113 : i32
        %dma_start3A_115 = arith.constant 0 : i32
        %dma_start3A_116 = tpu.memref_slice %arg4[%add3A_114, %dma_start3A_115] : memref<2528x128xi32, #tpu.memory_space<hbm>> -> memref<1x128xi32, #tpu.memory_space<hbm>>
        %dma_start3A_117 = tpu.memref_squeeze %dma_start3A_116 : memref<1x128xi32, #tpu.memory_space<hbm>> -> memref<128xi32, #tpu.memory_space<hbm>>
        %dma_start3A_118 = arith.constant 0 : i32
        %dma_start3A_119 = tpu.memref_slice %arg4[%add3A_114, %dma_start3A_118] : memref<2528x128xi32, #tpu.memory_space<hbm>> -> memref<1x128xi32, #tpu.memory_space<hbm>>
        %dma_start3A_120 = tpu.memref_squeeze %dma_start3A_119 : memref<1x128xi32, #tpu.memory_space<hbm>> -> memref<128xi32, #tpu.memory_space<hbm>>
        tpu.enqueue_dma source(%dma_start3A_120 : memref<128xi32, #tpu.memory_space<hbm>>) target(%arg10 : memref<128xi32, #tpu.memory_space<vmem>>) target_semaphore(%arg15 : memref<!tpu.dma_semaphore, #tpu.memory_space<semaphore_mem>>)
      } else {
      }
    }
    %barrier3A_63 = arith.constant 0 : index
    tpu.barrier barrier_id(%barrier3A_63)
    %mul3A_64 = arith.constant 640 : i32
    %mul3A_65 = arith.muli %arg1, %mul3A_64 : i32
    %mul3A_66 = arith.constant 640 : i32
    %mul3A_67 = arith.muli %arg1, %mul3A_66 : i32
    "tpu.region"() ({
      %run_scoped3A = tpu.sem_alloc : memref<!tpu.dma_semaphore, #tpu.memory_space<semaphore_mem>>
      %dma_start3A_68 = arith.constant 0 : i32
      %dma_start3A_69 = tpu.memref_slice %arg6[%arg0, %mul3A_67, %dma_start3A_68] : memref<2x10240x128xf32, #tpu.memory_space<hbm>> -> memref<1x640x128xf32, #tpu.memory_space<hbm>>
      %dma_start3A_70 = tpu.memref_squeeze %dma_start3A_69 : memref<1x640x128xf32, #tpu.memory_space<hbm>> -> memref<640x128xf32, #tpu.memory_space<hbm>>
      %dma_start3A_71 = arith.constant 0 : i32
      %dma_start3A_72 = tpu.memref_slice %arg13[%mul3A_65, %dma_start3A_71] : memref<10240x128xf32, #tpu.memory_space<vmem_shared>> -> memref<640x128xf32, #tpu.memory_space<vmem_shared>>
      tpu.enqueue_dma source(%dma_start3A_72 : memref<640x128xf32, #tpu.memory_space<vmem_shared>>) target(%dma_start3A_70 : memref<640x128xf32, #tpu.memory_space<hbm>>) target_semaphore(%run_scoped3A : memref<!tpu.dma_semaphore, #tpu.memory_space<semaphore_mem>>)
      %dma_wait3A_73 = arith.constant 0 : i32
      %dma_wait3A_74 = tpu.memref_slice %arg6[%arg0, %mul3A_67, %dma_wait3A_73] : memref<2x10240x128xf32, #tpu.memory_space<hbm>> -> memref<1x640x128xf32, #tpu.memory_space<hbm>>
      %dma_wait3A_75 = tpu.memref_squeeze %dma_wait3A_74 : memref<1x640x128xf32, #tpu.memory_space<hbm>> -> memref<640x128xf32, #tpu.memory_space<hbm>>
      %dma_wait3A_76 = arith.constant 0 : i32
      %dma_wait3A_77 = tpu.memref_slice %arg13[%mul3A_65, %dma_wait3A_76] : memref<10240x128xf32, #tpu.memory_space<vmem_shared>> -> memref<640x128xf32, #tpu.memory_space<vmem_shared>>
      tpu.wait_dma2 semaphore(%run_scoped3A : memref<!tpu.dma_semaphore, #tpu.memory_space<semaphore_mem>>) src(%dma_wait3A_77 : memref<640x128xf32, #tpu.memory_space<vmem_shared>>) dst(%dma_wait3A_75 : memref<640x128xf32, #tpu.memory_space<hbm>>)
      tpu.yield
    }) : () -> ()
    return
  }
}

#map = affine_map<(d0, d1) -> (0, 0)>
#map1 = affine_map<(d0, d1) -> (0, 0, 0)>
module attributes {stable_mosaic.version = 14 : i64} {
  func.func @agg_kernel(%arg0: i32, %arg1: i32, %arg2: memref<10000x128xf32, #tpu.memory_space<hbm>>, %arg3: memref<2528x128xi32, #tpu.memory_space<hbm>>, %arg4: memref<2528x128xi32, #tpu.memory_space<hbm>>, %arg5: memref<10240x128xf32, #tpu.memory_space<hbm>>, %arg6: memref<2x10240x128xf32, #tpu.memory_space<hbm>>, %arg7: memref<128xi32, #tpu.memory_space<vmem>>, %arg8: memref<128xi32, #tpu.memory_space<vmem>>, %arg9: memref<128xi32, #tpu.memory_space<vmem>>, %arg10: memref<128xi32, #tpu.memory_space<vmem>>, %arg11: memref<128x128xf32, #tpu.memory_space<vmem>>, %arg12: memref<128x128xf32, #tpu.memory_space<vmem>>, %arg13: memref<10240x128xf32, #tpu.memory_space<vmem_shared>>, %arg14: memref<!tpu.dma_semaphore, #tpu.memory_space<semaphore_mem>>, %arg15: memref<!tpu.dma_semaphore, #tpu.memory_space<semaphore_mem>>, %arg16: memref<!tpu.dma_semaphore, #tpu.memory_space<semaphore_mem>>, %arg17: memref<!tpu.dma_semaphore, #tpu.memory_space<semaphore_mem>>) attributes {dimension_semantics = [#tpu.dimension_semantics<core_parallel>, #tpu.dimension_semantics<subcore_parallel>], iteration_bounds = array<i64: 2, 16>, scalar_prefetch = 0 : i64, scratch_operands = 11 : i64, tpu.core_type = #tpu.core_type<sc_vector_subcore>, window_params = [{transform_indices = #map}, {transform_indices = #map}, {transform_indices = #map}, {transform_indices = #map}, {transform_indices = #map1}]} {
    %mul3A = arith.constant 640 : i32
    %mul3A_0 = arith.muli %arg1, %mul3A : i32
    %mul3A_1 = arith.constant 640 : i32
    %mul3A_2 = arith.muli %arg1, %mul3A_1 : i32
    "tpu.region"() ({
      %run_scoped3A = tpu.sem_alloc : memref<!tpu.dma_semaphore, #tpu.memory_space<semaphore_mem>>
      %dma_start3A_68 = arith.constant 0 : i32
      %dma_start3A_69 = tpu.memref_slice %arg13[%mul3A_2, %dma_start3A_68] : memref<10240x128xf32, #tpu.memory_space<vmem_shared>> -> memref<640x128xf32, #tpu.memory_space<vmem_shared>>
      %dma_start3A_70 = arith.constant 0 : i32
      %dma_start3A_71 = tpu.memref_slice %arg5[%mul3A_0, %dma_start3A_70] : memref<10240x128xf32, #tpu.memory_space<hbm>> -> memref<640x128xf32, #tpu.memory_space<hbm>>
      tpu.enqueue_dma source(%dma_start3A_71 : memref<640x128xf32, #tpu.memory_space<hbm>>) target(%dma_start3A_69 : memref<640x128xf32, #tpu.memory_space<vmem_shared>>) target_semaphore(%run_scoped3A : memref<!tpu.dma_semaphore, #tpu.memory_space<semaphore_mem>>)
      %dma_wait3A_72 = arith.constant 0 : i32
      %dma_wait3A_73 = tpu.memref_slice %arg13[%mul3A_2, %dma_wait3A_72] : memref<10240x128xf32, #tpu.memory_space<vmem_shared>> -> memref<640x128xf32, #tpu.memory_space<vmem_shared>>
      %dma_wait3A_74 = arith.constant 0 : i32
      %dma_wait3A_75 = tpu.memref_slice %arg5[%mul3A_0, %dma_wait3A_74] : memref<10240x128xf32, #tpu.memory_space<hbm>> -> memref<640x128xf32, #tpu.memory_space<hbm>>
      tpu.wait_dma2 semaphore(%run_scoped3A : memref<!tpu.dma_semaphore, #tpu.memory_space<semaphore_mem>>) src(%dma_wait3A_75 : memref<640x128xf32, #tpu.memory_space<hbm>>) dst(%dma_wait3A_73 : memref<640x128xf32, #tpu.memory_space<vmem_shared>>)
      tpu.yield
    }) : () -> ()
    %barrier3A = arith.constant 0 : index
    tpu.barrier barrier_id(%barrier3A)
    %eq3A = arith.constant 0 : i32
    %eq3A_3 = arith.cmpi eq, %arg0, %eq3A : i32
    %jit3A = arith.constant 55 : i32
    %jit3A_4 = arith.constant 24 : i32
    %select_n3A = arith.select %eq3A_3, %jit3A, %jit3A_4 : i32
    %eq3A_5 = arith.constant 0 : i32
    %eq3A_6 = arith.cmpi eq, %arg0, %eq3A_5 : i32
    %mul3A_7 = arith.constant 110 : i32
    %mul3A_8 = arith.muli %arg1, %mul3A_7 : i32
    %mul3A_9 = arith.constant 48 : i32
    %mul3A_10 = arith.muli %arg1, %mul3A_9 : i32
    %add3A = arith.constant 1760 : i32
    %add3A_11 = arith.addi %add3A, %mul3A_10 : i32
    %select_n3A_12 = arith.select %eq3A_6, %mul3A_8, %add3A_11 : i32
    %dma_start3A = arith.constant 0 : i32
    %dma_start3A_13 = tpu.memref_slice %arg3[%select_n3A_12, %dma_start3A] : memref<2528x128xi32, #tpu.memory_space<hbm>> -> memref<1x128xi32, #tpu.memory_space<hbm>>
    %dma_start3A_14 = tpu.memref_squeeze %dma_start3A_13 : memref<1x128xi32, #tpu.memory_space<hbm>> -> memref<128xi32, #tpu.memory_space<hbm>>
    %dma_start3A_15 = arith.constant 0 : i32
    %dma_start3A_16 = tpu.memref_slice %arg3[%select_n3A_12, %dma_start3A_15] : memref<2528x128xi32, #tpu.memory_space<hbm>> -> memref<1x128xi32, #tpu.memory_space<hbm>>
    %dma_start3A_17 = tpu.memref_squeeze %dma_start3A_16 : memref<1x128xi32, #tpu.memory_space<hbm>> -> memref<128xi32, #tpu.memory_space<hbm>>
    tpu.enqueue_dma source(%dma_start3A_17 : memref<128xi32, #tpu.memory_space<hbm>>) target(%arg7 : memref<128xi32, #tpu.memory_space<vmem>>) target_semaphore(%arg14 : memref<!tpu.dma_semaphore, #tpu.memory_space<semaphore_mem>>)
    %dma_start3A_18 = arith.constant 0 : i32
    %dma_start3A_19 = tpu.memref_slice %arg4[%select_n3A_12, %dma_start3A_18] : memref<2528x128xi32, #tpu.memory_space<hbm>> -> memref<1x128xi32, #tpu.memory_space<hbm>>
    %dma_start3A_20 = tpu.memref_squeeze %dma_start3A_19 : memref<1x128xi32, #tpu.memory_space<hbm>> -> memref<128xi32, #tpu.memory_space<hbm>>
    %dma_start3A_21 = arith.constant 0 : i32
    %dma_start3A_22 = tpu.memref_slice %arg4[%select_n3A_12, %dma_start3A_21] : memref<2528x128xi32, #tpu.memory_space<hbm>> -> memref<1x128xi32, #tpu.memory_space<hbm>>
    %dma_start3A_23 = tpu.memref_squeeze %dma_start3A_22 : memref<1x128xi32, #tpu.memory_space<hbm>> -> memref<128xi32, #tpu.memory_space<hbm>>
    tpu.enqueue_dma source(%dma_start3A_23 : memref<128xi32, #tpu.memory_space<hbm>>) target(%arg8 : memref<128xi32, #tpu.memory_space<vmem>>) target_semaphore(%arg14 : memref<!tpu.dma_semaphore, #tpu.memory_space<semaphore_mem>>)
    %add3A_24 = arith.constant 1 : i32
    %add3A_25 = arith.addi %select_n3A_12, %add3A_24 : i32
    %dma_start3A_26 = arith.constant 0 : i32
    %dma_start3A_27 = tpu.memref_slice %arg3[%add3A_25, %dma_start3A_26] : memref<2528x128xi32, #tpu.memory_space<hbm>> -> memref<1x128xi32, #tpu.memory_space<hbm>>
    %dma_start3A_28 = tpu.memref_squeeze %dma_start3A_27 : memref<1x128xi32, #tpu.memory_space<hbm>> -> memref<128xi32, #tpu.memory_space<hbm>>
    %dma_start3A_29 = arith.constant 0 : i32
    %dma_start3A_30 = tpu.memref_slice %arg3[%add3A_25, %dma_start3A_29] : memref<2528x128xi32, #tpu.memory_space<hbm>> -> memref<1x128xi32, #tpu.memory_space<hbm>>
    %dma_start3A_31 = tpu.memref_squeeze %dma_start3A_30 : memref<1x128xi32, #tpu.memory_space<hbm>> -> memref<128xi32, #tpu.memory_space<hbm>>
    tpu.enqueue_dma source(%dma_start3A_31 : memref<128xi32, #tpu.memory_space<hbm>>) target(%arg9 : memref<128xi32, #tpu.memory_space<vmem>>) target_semaphore(%arg15 : memref<!tpu.dma_semaphore, #tpu.memory_space<semaphore_mem>>)
    %add3A_32 = arith.constant 1 : i32
    %add3A_33 = arith.addi %select_n3A_12, %add3A_32 : i32
    %dma_start3A_34 = arith.constant 0 : i32
    %dma_start3A_35 = tpu.memref_slice %arg4[%add3A_33, %dma_start3A_34] : memref<2528x128xi32, #tpu.memory_space<hbm>> -> memref<1x128xi32, #tpu.memory_space<hbm>>
    %dma_start3A_36 = tpu.memref_squeeze %dma_start3A_35 : memref<1x128xi32, #tpu.memory_space<hbm>> -> memref<128xi32, #tpu.memory_space<hbm>>
    %dma_start3A_37 = arith.constant 0 : i32
    %dma_start3A_38 = tpu.memref_slice %arg4[%add3A_33, %dma_start3A_37] : memref<2528x128xi32, #tpu.memory_space<hbm>> -> memref<1x128xi32, #tpu.memory_space<hbm>>
    %dma_start3A_39 = tpu.memref_squeeze %dma_start3A_38 : memref<1x128xi32, #tpu.memory_space<hbm>> -> memref<128xi32, #tpu.memory_space<hbm>>
    tpu.enqueue_dma source(%dma_start3A_39 : memref<128xi32, #tpu.memory_space<hbm>>) target(%arg10 : memref<128xi32, #tpu.memory_space<vmem>>) target_semaphore(%arg15 : memref<!tpu.dma_semaphore, #tpu.memory_space<semaphore_mem>>)
    %dma_wait3A = arith.constant 0 : i32
    %dma_wait3A_40 = tpu.memref_slice %arg3[%select_n3A_12, %dma_wait3A] : memref<2528x128xi32, #tpu.memory_space<hbm>> -> memref<1x128xi32, #tpu.memory_space<hbm>>
    %dma_wait3A_41 = tpu.memref_squeeze %dma_wait3A_40 : memref<1x128xi32, #tpu.memory_space<hbm>> -> memref<128xi32, #tpu.memory_space<hbm>>
    %dma_wait3A_42 = arith.constant 0 : i32
    %dma_wait3A_43 = tpu.memref_slice %arg3[%select_n3A_12, %dma_wait3A_42] : memref<2528x128xi32, #tpu.memory_space<hbm>> -> memref<1x128xi32, #tpu.memory_space<hbm>>
    %dma_wait3A_44 = tpu.memref_squeeze %dma_wait3A_43 : memref<1x128xi32, #tpu.memory_space<hbm>> -> memref<128xi32, #tpu.memory_space<hbm>>
    tpu.wait_dma2 semaphore(%arg14 : memref<!tpu.dma_semaphore, #tpu.memory_space<semaphore_mem>>) src(%dma_wait3A_44 : memref<128xi32, #tpu.memory_space<hbm>>) dst(%arg7 : memref<128xi32, #tpu.memory_space<vmem>>)
    %dma_wait3A_45 = arith.constant 0 : i32
    %dma_wait3A_46 = tpu.memref_slice %arg4[%select_n3A_12, %dma_wait3A_45] : memref<2528x128xi32, #tpu.memory_space<hbm>> -> memref<1x128xi32, #tpu.memory_space<hbm>>
    %dma_wait3A_47 = tpu.memref_squeeze %dma_wait3A_46 : memref<1x128xi32, #tpu.memory_space<hbm>> -> memref<128xi32, #tpu.memory_space<hbm>>
    %dma_wait3A_48 = arith.constant 0 : i32
    %dma_wait3A_49 = tpu.memref_slice %arg4[%select_n3A_12, %dma_wait3A_48] : memref<2528x128xi32, #tpu.memory_space<hbm>> -> memref<1x128xi32, #tpu.memory_space<hbm>>
    %dma_wait3A_50 = tpu.memref_squeeze %dma_wait3A_49 : memref<1x128xi32, #tpu.memory_space<hbm>> -> memref<128xi32, #tpu.memory_space<hbm>>
    tpu.wait_dma2 semaphore(%arg14 : memref<!tpu.dma_semaphore, #tpu.memory_space<semaphore_mem>>) src(%dma_wait3A_50 : memref<128xi32, #tpu.memory_space<hbm>>) dst(%arg8 : memref<128xi32, #tpu.memory_space<vmem>>)
    %dma_start3A_51 = arith.constant 0 : i32
    %dma_start3A_52 = arith.constant 0 : i32
    %dma_start3A_53 = tpu.memref_slice %arg2[%dma_start3A_51, %dma_start3A_52] : memref<10000x128xf32, #tpu.memory_space<hbm>> -> memref<10000x128xf32, #tpu.memory_space<hbm>>
    tpu.enqueue_indirect_dma source(%dma_start3A_53 : memref<10000x128xf32, #tpu.memory_space<hbm>>) target(%arg11 : memref<128x128xf32, #tpu.memory_space<vmem>>) offsets(%arg7 : memref<128xi32, #tpu.memory_space<vmem>>) semaphore(%arg16 : memref<!tpu.dma_semaphore, #tpu.memory_space<semaphore_mem>>)
    %while3A = arith.constant 0 : i32
    %while3A_54 = arith.constant 0 : i32
    %while3A_55 = arith.subi %select_n3A, %while3A_54 : i32
    %while3A_56 = arith.addi %while3A_54, %while3A_55 : i32
    %while3A_57 = arith.constant 1 : i32
    %while3A_58 = arith.divsi %while3A_55, %while3A_57 : i32
    %while3A_59 = arith.muli %while3A_58, %while3A_57 : i32
    %while3A_60 = arith.addi %while3A_54, %while3A_59 : i32
    %while3A_61 = arith.constant 1 : i32
    scf.for %while3A_68 = %while3A_54 to %while3A_60 step %while3A_61  : i32 {
      %mul3A_69 = arith.constant 2 : i32
      %mul3A_70 = arith.muli %mul3A_69, %while3A_68 : i32
      %add3A_71 = arith.addi %select_n3A_12, %mul3A_70 : i32
      %sub3A = arith.constant 1 : i32
      %sub3A_72 = arith.subi %select_n3A, %sub3A : i32
      %lt3A = arith.cmpi slt, %while3A_68, %sub3A_72 : i32
      %dma_wait3A_73 = arith.constant 0 : i32
      %dma_wait3A_74 = arith.constant 0 : i32
      %dma_wait3A_75 = tpu.memref_slice %arg2[%dma_wait3A_73, %dma_wait3A_74] : memref<10000x128xf32, #tpu.memory_space<hbm>> -> memref<10000x128xf32, #tpu.memory_space<hbm>>
      tpu.wait_indirect_dma semaphore(%arg16 : memref<!tpu.dma_semaphore, #tpu.memory_space<semaphore_mem>>) src(%dma_wait3A_75 : memref<10000x128xf32, #tpu.memory_space<hbm>>) dst(%arg11 : memref<128x128xf32, #tpu.memory_space<vmem>>)
      %add3A_76 = arith.constant 1 : i32
      %add3A_77 = arith.addi %add3A_71, %add3A_76 : i32
      %dma_wait3A_78 = arith.constant 0 : i32
      %dma_wait3A_79 = tpu.memref_slice %arg3[%add3A_77, %dma_wait3A_78] : memref<2528x128xi32, #tpu.memory_space<hbm>> -> memref<1x128xi32, #tpu.memory_space<hbm>>
      %dma_wait3A_80 = tpu.memref_squeeze %dma_wait3A_79 : memref<1x128xi32, #tpu.memory_space<hbm>> -> memref<128xi32, #tpu.memory_space<hbm>>
      %dma_wait3A_81 = arith.constant 0 : i32
      %dma_wait3A_82 = tpu.memref_slice %arg3[%add3A_77, %dma_wait3A_81] : memref<2528x128xi32, #tpu.memory_space<hbm>> -> memref<1x128xi32, #tpu.memory_space<hbm>>
      %dma_wait3A_83 = tpu.memref_squeeze %dma_wait3A_82 : memref<1x128xi32, #tpu.memory_space<hbm>> -> memref<128xi32, #tpu.memory_space<hbm>>
      tpu.wait_dma2 semaphore(%arg15 : memref<!tpu.dma_semaphore, #tpu.memory_space<semaphore_mem>>) src(%dma_wait3A_83 : memref<128xi32, #tpu.memory_space<hbm>>) dst(%arg9 : memref<128xi32, #tpu.memory_space<vmem>>)
      %add3A_84 = arith.constant 1 : i32
      %add3A_85 = arith.addi %add3A_71, %add3A_84 : i32
      %dma_wait3A_86 = arith.constant 0 : i32
      %dma_wait3A_87 = tpu.memref_slice %arg4[%add3A_85, %dma_wait3A_86] : memref<2528x128xi32, #tpu.memory_space<hbm>> -> memref<1x128xi32, #tpu.memory_space<hbm>>
      %dma_wait3A_88 = tpu.memref_squeeze %dma_wait3A_87 : memref<1x128xi32, #tpu.memory_space<hbm>> -> memref<128xi32, #tpu.memory_space<hbm>>
      %dma_wait3A_89 = arith.constant 0 : i32
      %dma_wait3A_90 = tpu.memref_slice %arg4[%add3A_85, %dma_wait3A_89] : memref<2528x128xi32, #tpu.memory_space<hbm>> -> memref<1x128xi32, #tpu.memory_space<hbm>>
      %dma_wait3A_91 = tpu.memref_squeeze %dma_wait3A_90 : memref<1x128xi32, #tpu.memory_space<hbm>> -> memref<128xi32, #tpu.memory_space<hbm>>
      tpu.wait_dma2 semaphore(%arg15 : memref<!tpu.dma_semaphore, #tpu.memory_space<semaphore_mem>>) src(%dma_wait3A_91 : memref<128xi32, #tpu.memory_space<hbm>>) dst(%arg10 : memref<128xi32, #tpu.memory_space<vmem>>)
      %dma_start3A_92 = arith.constant 0 : i32
      %dma_start3A_93 = arith.constant 0 : i32
      %dma_start3A_94 = tpu.memref_slice %arg2[%dma_start3A_92, %dma_start3A_93] : memref<10000x128xf32, #tpu.memory_space<hbm>> -> memref<10000x128xf32, #tpu.memory_space<hbm>>
      tpu.enqueue_indirect_dma source(%dma_start3A_94 : memref<10000x128xf32, #tpu.memory_space<hbm>>) target(%arg12 : memref<128x128xf32, #tpu.memory_space<vmem>>) offsets(%arg9 : memref<128xi32, #tpu.memory_space<vmem>>) semaphore(%arg17 : memref<!tpu.dma_semaphore, #tpu.memory_space<semaphore_mem>>)
      "tpu.region"() ({
        %run_scoped3A = tpu.sem_alloc : memref<!tpu.dma_semaphore, #tpu.memory_space<semaphore_mem>>
        %dma_start3A_105 = arith.constant 0 : i32
        %dma_start3A_106 = arith.constant 0 : i32
        %dma_start3A_107 = tpu.memref_slice %arg13[%dma_start3A_105, %dma_start3A_106] : memref<10240x128xf32, #tpu.memory_space<vmem_shared>> -> memref<10240x128xf32, #tpu.memory_space<vmem_shared>>
        tpu.enqueue_indirect_dma source(%arg11 : memref<128x128xf32, #tpu.memory_space<vmem>>) target(%dma_start3A_107 : memref<10240x128xf32, #tpu.memory_space<vmem_shared>>) offsets(%arg8 : memref<128xi32, #tpu.memory_space<vmem>>) semaphore(%run_scoped3A : memref<!tpu.dma_semaphore, #tpu.memory_space<semaphore_mem>>) {add = true}
        %dma_wait3A_108 = arith.constant 0 : i32
        %dma_wait3A_109 = arith.constant 0 : i32
        %dma_wait3A_110 = tpu.memref_slice %arg13[%dma_wait3A_108, %dma_wait3A_109] : memref<10240x128xf32, #tpu.memory_space<vmem_shared>> -> memref<10240x128xf32, #tpu.memory_space<vmem_shared>>
        tpu.wait_indirect_dma semaphore(%run_scoped3A : memref<!tpu.dma_semaphore, #tpu.memory_space<semaphore_mem>>) src(%arg11 : memref<128x128xf32, #tpu.memory_space<vmem>>) dst(%dma_wait3A_110 : memref<10240x128xf32, #tpu.memory_space<vmem_shared>>)
        tpu.yield
      }) : () -> ()
      %convert_element_type3A = arith.extui %lt3A : i1 to i32
      %cond3A = arith.constant 0 : i32
      %cond3A_95 = arith.cmpi ne, %convert_element_type3A, %cond3A : i32
      scf.if %cond3A_95 {
        %add3A_105 = arith.constant 2 : i32
        %add3A_106 = arith.addi %add3A_71, %add3A_105 : i32
        %dma_start3A_107 = arith.constant 0 : i32
        %dma_start3A_108 = tpu.memref_slice %arg3[%add3A_106, %dma_start3A_107] : memref<2528x128xi32, #tpu.memory_space<hbm>> -> memref<1x128xi32, #tpu.memory_space<hbm>>
        %dma_start3A_109 = tpu.memref_squeeze %dma_start3A_108 : memref<1x128xi32, #tpu.memory_space<hbm>> -> memref<128xi32, #tpu.memory_space<hbm>>
        %dma_start3A_110 = arith.constant 0 : i32
        %dma_start3A_111 = tpu.memref_slice %arg3[%add3A_106, %dma_start3A_110] : memref<2528x128xi32, #tpu.memory_space<hbm>> -> memref<1x128xi32, #tpu.memory_space<hbm>>
        %dma_start3A_112 = tpu.memref_squeeze %dma_start3A_111 : memref<1x128xi32, #tpu.memory_space<hbm>> -> memref<128xi32, #tpu.memory_space<hbm>>
        tpu.enqueue_dma source(%dma_start3A_112 : memref<128xi32, #tpu.memory_space<hbm>>) target(%arg7 : memref<128xi32, #tpu.memory_space<vmem>>) target_semaphore(%arg14 : memref<!tpu.dma_semaphore, #tpu.memory_space<semaphore_mem>>)
        %add3A_113 = arith.constant 2 : i32
        %add3A_114 = arith.addi %add3A_71, %add3A_113 : i32
        %dma_start3A_115 = arith.constant 0 : i32
        %dma_start3A_116 = tpu.memref_slice %arg4[%add3A_114, %dma_start3A_115] : memref<2528x128xi32, #tpu.memory_space<hbm>> -> memref<1x128xi32, #tpu.memory_space<hbm>>
        %dma_start3A_117 = tpu.memref_squeeze %dma_start3A_116 : memref<1x128xi32, #tpu.memory_space<hbm>> -> memref<128xi32, #tpu.memory_space<hbm>>
        %dma_start3A_118 = arith.constant 0 : i32
        %dma_start3A_119 = tpu.memref_slice %arg4[%add3A_114, %dma_start3A_118] : memref<2528x128xi32, #tpu.memory_space<hbm>> -> memref<1x128xi32, #tpu.memory_space<hbm>>
        %dma_start3A_120 = tpu.memref_squeeze %dma_start3A_119 : memref<1x128xi32, #tpu.memory_space<hbm>> -> memref<128xi32, #tpu.memory_space<hbm>>
        tpu.enqueue_dma source(%dma_start3A_120 : memref<128xi32, #tpu.memory_space<hbm>>) target(%arg8 : memref<128xi32, #tpu.memory_space<vmem>>) target_semaphore(%arg14 : memref<!tpu.dma_semaphore, #tpu.memory_space<semaphore_mem>>)
      } else {
      }
      %dma_wait3A_96 = arith.constant 0 : i32
      %dma_wait3A_97 = arith.constant 0 : i32
      %dma_wait3A_98 = tpu.memref_slice %arg2[%dma_wait3A_96, %dma_wait3A_97] : memref<10000x128xf32, #tpu.memory_space<hbm>> -> memref<10000x128xf32, #tpu.memory_space<hbm>>
      tpu.wait_indirect_dma semaphore(%arg17 : memref<!tpu.dma_semaphore, #tpu.memory_space<semaphore_mem>>) src(%dma_wait3A_98 : memref<10000x128xf32, #tpu.memory_space<hbm>>) dst(%arg12 : memref<128x128xf32, #tpu.memory_space<vmem>>)
      %convert_element_type3A_99 = arith.extui %lt3A : i1 to i32
      %cond3A_100 = arith.constant 0 : i32
      %cond3A_101 = arith.cmpi ne, %convert_element_type3A_99, %cond3A_100 : i32
      scf.if %cond3A_101 {
        %add3A_105 = arith.constant 2 : i32
        %add3A_106 = arith.addi %add3A_71, %add3A_105 : i32
        %dma_wait3A_107 = arith.constant 0 : i32
        %dma_wait3A_108 = tpu.memref_slice %arg3[%add3A_106, %dma_wait3A_107] : memref<2528x128xi32, #tpu.memory_space<hbm>> -> memref<1x128xi32, #tpu.memory_space<hbm>>
        %dma_wait3A_109 = tpu.memref_squeeze %dma_wait3A_108 : memref<1x128xi32, #tpu.memory_space<hbm>> -> memref<128xi32, #tpu.memory_space<hbm>>
        %dma_wait3A_110 = arith.constant 0 : i32
        %dma_wait3A_111 = tpu.memref_slice %arg3[%add3A_106, %dma_wait3A_110] : memref<2528x128xi32, #tpu.memory_space<hbm>> -> memref<1x128xi32, #tpu.memory_space<hbm>>
        %dma_wait3A_112 = tpu.memref_squeeze %dma_wait3A_111 : memref<1x128xi32, #tpu.memory_space<hbm>> -> memref<128xi32, #tpu.memory_space<hbm>>
        tpu.wait_dma2 semaphore(%arg14 : memref<!tpu.dma_semaphore, #tpu.memory_space<semaphore_mem>>) src(%dma_wait3A_112 : memref<128xi32, #tpu.memory_space<hbm>>) dst(%arg7 : memref<128xi32, #tpu.memory_space<vmem>>)
        %add3A_113 = arith.constant 2 : i32
        %add3A_114 = arith.addi %add3A_71, %add3A_113 : i32
        %dma_wait3A_115 = arith.constant 0 : i32
        %dma_wait3A_116 = tpu.memref_slice %arg4[%add3A_114, %dma_wait3A_115] : memref<2528x128xi32, #tpu.memory_space<hbm>> -> memref<1x128xi32, #tpu.memory_space<hbm>>
        %dma_wait3A_117 = tpu.memref_squeeze %dma_wait3A_116 : memref<1x128xi32, #tpu.memory_space<hbm>> -> memref<128xi32, #tpu.memory_space<hbm>>
        %dma_wait3A_118 = arith.constant 0 : i32
        %dma_wait3A_119 = tpu.memref_slice %arg4[%add3A_114, %dma_wait3A_118] : memref<2528x128xi32, #tpu.memory_space<hbm>> -> memref<1x128xi32, #tpu.memory_space<hbm>>
        %dma_wait3A_120 = tpu.memref_squeeze %dma_wait3A_119 : memref<1x128xi32, #tpu.memory_space<hbm>> -> memref<128xi32, #tpu.memory_space<hbm>>
        tpu.wait_dma2 semaphore(%arg14 : memref<!tpu.dma_semaphore, #tpu.memory_space<semaphore_mem>>) src(%dma_wait3A_120 : memref<128xi32, #tpu.memory_space<hbm>>) dst(%arg8 : memref<128xi32, #tpu.memory_space<vmem>>)
        %dma_start3A_121 = arith.constant 0 : i32
        %dma_start3A_122 = arith.constant 0 : i32
        %dma_start3A_123 = tpu.memref_slice %arg2[%dma_start3A_121, %dma_start3A_122] : memref<10000x128xf32, #tpu.memory_space<hbm>> -> memref<10000x128xf32, #tpu.memory_space<hbm>>
        tpu.enqueue_indirect_dma source(%dma_start3A_123 : memref<10000x128xf32, #tpu.memory_space<hbm>>) target(%arg11 : memref<128x128xf32, #tpu.memory_space<vmem>>) offsets(%arg7 : memref<128xi32, #tpu.memory_space<vmem>>) semaphore(%arg16 : memref<!tpu.dma_semaphore, #tpu.memory_space<semaphore_mem>>)
      } else {
      }
      "tpu.region"() ({
        %run_scoped3A = tpu.sem_alloc : memref<!tpu.dma_semaphore, #tpu.memory_space<semaphore_mem>>
        %dma_start3A_105 = arith.constant 0 : i32
        %dma_start3A_106 = arith.constant 0 : i32
        %dma_start3A_107 = tpu.memref_slice %arg13[%dma_start3A_105, %dma_start3A_106] : memref<10240x128xf32, #tpu.memory_space<vmem_shared>> -> memref<10240x128xf32, #tpu.memory_space<vmem_shared>>
        tpu.enqueue_indirect_dma source(%arg12 : memref<128x128xf32, #tpu.memory_space<vmem>>) target(%dma_start3A_107 : memref<10240x128xf32, #tpu.memory_space<vmem_shared>>) offsets(%arg10 : memref<128xi32, #tpu.memory_space<vmem>>) semaphore(%run_scoped3A : memref<!tpu.dma_semaphore, #tpu.memory_space<semaphore_mem>>) {add = true}
        %dma_wait3A_108 = arith.constant 0 : i32
        %dma_wait3A_109 = arith.constant 0 : i32
        %dma_wait3A_110 = tpu.memref_slice %arg13[%dma_wait3A_108, %dma_wait3A_109] : memref<10240x128xf32, #tpu.memory_space<vmem_shared>> -> memref<10240x128xf32, #tpu.memory_space<vmem_shared>>
        tpu.wait_indirect_dma semaphore(%run_scoped3A : memref<!tpu.dma_semaphore, #tpu.memory_space<semaphore_mem>>) src(%arg12 : memref<128x128xf32, #tpu.memory_space<vmem>>) dst(%dma_wait3A_110 : memref<10240x128xf32, #tpu.memory_space<vmem_shared>>)
        tpu.yield
      }) : () -> ()
      %convert_element_type3A_102 = arith.extui %lt3A : i1 to i32
      %cond3A_103 = arith.constant 0 : i32
      %cond3A_104 = arith.cmpi ne, %convert_element_type3A_102, %cond3A_103 : i32
      scf.if %cond3A_104 {
        %add3A_105 = arith.constant 3 : i32
        %add3A_106 = arith.addi %add3A_71, %add3A_105 : i32
        %dma_start3A_107 = arith.constant 0 : i32
        %dma_start3A_108 = tpu.memref_slice %arg3[%add3A_106, %dma_start3A_107] : memref<2528x128xi32, #tpu.memory_space<hbm>> -> memref<1x128xi32, #tpu.memory_space<hbm>>
        %dma_start3A_109 = tpu.memref_squeeze %dma_start3A_108 : memref<1x128xi32, #tpu.memory_space<hbm>> -> memref<128xi32, #tpu.memory_space<hbm>>
        %dma_start3A_110 = arith.constant 0 : i32
        %dma_start3A_111 = tpu.memref_slice %arg3[%add3A_106, %dma_start3A_110] : memref<2528x128xi32, #tpu.memory_space<hbm>> -> memref<1x128xi32, #tpu.memory_space<hbm>>
        %dma_start3A_112 = tpu.memref_squeeze %dma_start3A_111 : memref<1x128xi32, #tpu.memory_space<hbm>> -> memref<128xi32, #tpu.memory_space<hbm>>
        tpu.enqueue_dma source(%dma_start3A_112 : memref<128xi32, #tpu.memory_space<hbm>>) target(%arg9 : memref<128xi32, #tpu.memory_space<vmem>>) target_semaphore(%arg15 : memref<!tpu.dma_semaphore, #tpu.memory_space<semaphore_mem>>)
        %add3A_113 = arith.constant 3 : i32
        %add3A_114 = arith.addi %add3A_71, %add3A_113 : i32
        %dma_start3A_115 = arith.constant 0 : i32
        %dma_start3A_116 = tpu.memref_slice %arg4[%add3A_114, %dma_start3A_115] : memref<2528x128xi32, #tpu.memory_space<hbm>> -> memref<1x128xi32, #tpu.memory_space<hbm>>
        %dma_start3A_117 = tpu.memref_squeeze %dma_start3A_116 : memref<1x128xi32, #tpu.memory_space<hbm>> -> memref<128xi32, #tpu.memory_space<hbm>>
        %dma_start3A_118 = arith.constant 0 : i32
        %dma_start3A_119 = tpu.memref_slice %arg4[%add3A_114, %dma_start3A_118] : memref<2528x128xi32, #tpu.memory_space<hbm>> -> memref<1x128xi32, #tpu.memory_space<hbm>>
        %dma_start3A_120 = tpu.memref_squeeze %dma_start3A_119 : memref<1x128xi32, #tpu.memory_space<hbm>> -> memref<128xi32, #tpu.memory_space<hbm>>
        tpu.enqueue_dma source(%dma_start3A_120 : memref<128xi32, #tpu.memory_space<hbm>>) target(%arg10 : memref<128xi32, #tpu.memory_space<vmem>>) target_semaphore(%arg15 : memref<!tpu.dma_semaphore, #tpu.memory_space<semaphore_mem>>)
      } else {
      }
    }
    %while3A_62 = arith.constant 1 : i32
    scf.for %while3A_68 = %while3A_60 to %while3A_56 step %while3A_62  : i32 {
      %mul3A_69 = arith.constant 2 : i32
      %mul3A_70 = arith.muli %mul3A_69, %while3A_68 : i32
      %add3A_71 = arith.addi %select_n3A_12, %mul3A_70 : i32
      %sub3A = arith.constant 1 : i32
      %sub3A_72 = arith.subi %select_n3A, %sub3A : i32
      %lt3A = arith.cmpi slt, %while3A_68, %sub3A_72 : i32
      %dma_wait3A_73 = arith.constant 0 : i32
      %dma_wait3A_74 = arith.constant 0 : i32
      %dma_wait3A_75 = tpu.memref_slice %arg2[%dma_wait3A_73, %dma_wait3A_74] : memref<10000x128xf32, #tpu.memory_space<hbm>> -> memref<10000x128xf32, #tpu.memory_space<hbm>>
      tpu.wait_indirect_dma semaphore(%arg16 : memref<!tpu.dma_semaphore, #tpu.memory_space<semaphore_mem>>) src(%dma_wait3A_75 : memref<10000x128xf32, #tpu.memory_space<hbm>>) dst(%arg11 : memref<128x128xf32, #tpu.memory_space<vmem>>)
      %add3A_76 = arith.constant 1 : i32
      %add3A_77 = arith.addi %add3A_71, %add3A_76 : i32
      %dma_wait3A_78 = arith.constant 0 : i32
      %dma_wait3A_79 = tpu.memref_slice %arg3[%add3A_77, %dma_wait3A_78] : memref<2528x128xi32, #tpu.memory_space<hbm>> -> memref<1x128xi32, #tpu.memory_space<hbm>>
      %dma_wait3A_80 = tpu.memref_squeeze %dma_wait3A_79 : memref<1x128xi32, #tpu.memory_space<hbm>> -> memref<128xi32, #tpu.memory_space<hbm>>
      %dma_wait3A_81 = arith.constant 0 : i32
      %dma_wait3A_82 = tpu.memref_slice %arg3[%add3A_77, %dma_wait3A_81] : memref<2528x128xi32, #tpu.memory_space<hbm>> -> memref<1x128xi32, #tpu.memory_space<hbm>>
      %dma_wait3A_83 = tpu.memref_squeeze %dma_wait3A_82 : memref<1x128xi32, #tpu.memory_space<hbm>> -> memref<128xi32, #tpu.memory_space<hbm>>
      tpu.wait_dma2 semaphore(%arg15 : memref<!tpu.dma_semaphore, #tpu.memory_space<semaphore_mem>>) src(%dma_wait3A_83 : memref<128xi32, #tpu.memory_space<hbm>>) dst(%arg9 : memref<128xi32, #tpu.memory_space<vmem>>)
      %add3A_84 = arith.constant 1 : i32
      %add3A_85 = arith.addi %add3A_71, %add3A_84 : i32
      %dma_wait3A_86 = arith.constant 0 : i32
      %dma_wait3A_87 = tpu.memref_slice %arg4[%add3A_85, %dma_wait3A_86] : memref<2528x128xi32, #tpu.memory_space<hbm>> -> memref<1x128xi32, #tpu.memory_space<hbm>>
      %dma_wait3A_88 = tpu.memref_squeeze %dma_wait3A_87 : memref<1x128xi32, #tpu.memory_space<hbm>> -> memref<128xi32, #tpu.memory_space<hbm>>
      %dma_wait3A_89 = arith.constant 0 : i32
      %dma_wait3A_90 = tpu.memref_slice %arg4[%add3A_85, %dma_wait3A_89] : memref<2528x128xi32, #tpu.memory_space<hbm>> -> memref<1x128xi32, #tpu.memory_space<hbm>>
      %dma_wait3A_91 = tpu.memref_squeeze %dma_wait3A_90 : memref<1x128xi32, #tpu.memory_space<hbm>> -> memref<128xi32, #tpu.memory_space<hbm>>
      tpu.wait_dma2 semaphore(%arg15 : memref<!tpu.dma_semaphore, #tpu.memory_space<semaphore_mem>>) src(%dma_wait3A_91 : memref<128xi32, #tpu.memory_space<hbm>>) dst(%arg10 : memref<128xi32, #tpu.memory_space<vmem>>)
      %dma_start3A_92 = arith.constant 0 : i32
      %dma_start3A_93 = arith.constant 0 : i32
      %dma_start3A_94 = tpu.memref_slice %arg2[%dma_start3A_92, %dma_start3A_93] : memref<10000x128xf32, #tpu.memory_space<hbm>> -> memref<10000x128xf32, #tpu.memory_space<hbm>>
      tpu.enqueue_indirect_dma source(%dma_start3A_94 : memref<10000x128xf32, #tpu.memory_space<hbm>>) target(%arg12 : memref<128x128xf32, #tpu.memory_space<vmem>>) offsets(%arg9 : memref<128xi32, #tpu.memory_space<vmem>>) semaphore(%arg17 : memref<!tpu.dma_semaphore, #tpu.memory_space<semaphore_mem>>)
      "tpu.region"() ({
        %run_scoped3A = tpu.sem_alloc : memref<!tpu.dma_semaphore, #tpu.memory_space<semaphore_mem>>
        %dma_start3A_105 = arith.constant 0 : i32
        %dma_start3A_106 = arith.constant 0 : i32
        %dma_start3A_107 = tpu.memref_slice %arg13[%dma_start3A_105, %dma_start3A_106] : memref<10240x128xf32, #tpu.memory_space<vmem_shared>> -> memref<10240x128xf32, #tpu.memory_space<vmem_shared>>
        tpu.enqueue_indirect_dma source(%arg11 : memref<128x128xf32, #tpu.memory_space<vmem>>) target(%dma_start3A_107 : memref<10240x128xf32, #tpu.memory_space<vmem_shared>>) offsets(%arg8 : memref<128xi32, #tpu.memory_space<vmem>>) semaphore(%run_scoped3A : memref<!tpu.dma_semaphore, #tpu.memory_space<semaphore_mem>>) {add = true}
        %dma_wait3A_108 = arith.constant 0 : i32
        %dma_wait3A_109 = arith.constant 0 : i32
        %dma_wait3A_110 = tpu.memref_slice %arg13[%dma_wait3A_108, %dma_wait3A_109] : memref<10240x128xf32, #tpu.memory_space<vmem_shared>> -> memref<10240x128xf32, #tpu.memory_space<vmem_shared>>
        tpu.wait_indirect_dma semaphore(%run_scoped3A : memref<!tpu.dma_semaphore, #tpu.memory_space<semaphore_mem>>) src(%arg11 : memref<128x128xf32, #tpu.memory_space<vmem>>) dst(%dma_wait3A_110 : memref<10240x128xf32, #tpu.memory_space<vmem_shared>>)
        tpu.yield
      }) : () -> ()
      %convert_element_type3A = arith.extui %lt3A : i1 to i32
      %cond3A = arith.constant 0 : i32
      %cond3A_95 = arith.cmpi ne, %convert_element_type3A, %cond3A : i32
      scf.if %cond3A_95 {
        %add3A_105 = arith.constant 2 : i32
        %add3A_106 = arith.addi %add3A_71, %add3A_105 : i32
        %dma_start3A_107 = arith.constant 0 : i32
        %dma_start3A_108 = tpu.memref_slice %arg3[%add3A_106, %dma_start3A_107] : memref<2528x128xi32, #tpu.memory_space<hbm>> -> memref<1x128xi32, #tpu.memory_space<hbm>>
        %dma_start3A_109 = tpu.memref_squeeze %dma_start3A_108 : memref<1x128xi32, #tpu.memory_space<hbm>> -> memref<128xi32, #tpu.memory_space<hbm>>
        %dma_start3A_110 = arith.constant 0 : i32
        %dma_start3A_111 = tpu.memref_slice %arg3[%add3A_106, %dma_start3A_110] : memref<2528x128xi32, #tpu.memory_space<hbm>> -> memref<1x128xi32, #tpu.memory_space<hbm>>
        %dma_start3A_112 = tpu.memref_squeeze %dma_start3A_111 : memref<1x128xi32, #tpu.memory_space<hbm>> -> memref<128xi32, #tpu.memory_space<hbm>>
        tpu.enqueue_dma source(%dma_start3A_112 : memref<128xi32, #tpu.memory_space<hbm>>) target(%arg7 : memref<128xi32, #tpu.memory_space<vmem>>) target_semaphore(%arg14 : memref<!tpu.dma_semaphore, #tpu.memory_space<semaphore_mem>>)
        %add3A_113 = arith.constant 2 : i32
        %add3A_114 = arith.addi %add3A_71, %add3A_113 : i32
        %dma_start3A_115 = arith.constant 0 : i32
        %dma_start3A_116 = tpu.memref_slice %arg4[%add3A_114, %dma_start3A_115] : memref<2528x128xi32, #tpu.memory_space<hbm>> -> memref<1x128xi32, #tpu.memory_space<hbm>>
        %dma_start3A_117 = tpu.memref_squeeze %dma_start3A_116 : memref<1x128xi32, #tpu.memory_space<hbm>> -> memref<128xi32, #tpu.memory_space<hbm>>
        %dma_start3A_118 = arith.constant 0 : i32
        %dma_start3A_119 = tpu.memref_slice %arg4[%add3A_114, %dma_start3A_118] : memref<2528x128xi32, #tpu.memory_space<hbm>> -> memref<1x128xi32, #tpu.memory_space<hbm>>
        %dma_start3A_120 = tpu.memref_squeeze %dma_start3A_119 : memref<1x128xi32, #tpu.memory_space<hbm>> -> memref<128xi32, #tpu.memory_space<hbm>>
        tpu.enqueue_dma source(%dma_start3A_120 : memref<128xi32, #tpu.memory_space<hbm>>) target(%arg8 : memref<128xi32, #tpu.memory_space<vmem>>) target_semaphore(%arg14 : memref<!tpu.dma_semaphore, #tpu.memory_space<semaphore_mem>>)
      } else {
      }
      %dma_wait3A_96 = arith.constant 0 : i32
      %dma_wait3A_97 = arith.constant 0 : i32
      %dma_wait3A_98 = tpu.memref_slice %arg2[%dma_wait3A_96, %dma_wait3A_97] : memref<10000x128xf32, #tpu.memory_space<hbm>> -> memref<10000x128xf32, #tpu.memory_space<hbm>>
      tpu.wait_indirect_dma semaphore(%arg17 : memref<!tpu.dma_semaphore, #tpu.memory_space<semaphore_mem>>) src(%dma_wait3A_98 : memref<10000x128xf32, #tpu.memory_space<hbm>>) dst(%arg12 : memref<128x128xf32, #tpu.memory_space<vmem>>)
      %convert_element_type3A_99 = arith.extui %lt3A : i1 to i32
      %cond3A_100 = arith.constant 0 : i32
      %cond3A_101 = arith.cmpi ne, %convert_element_type3A_99, %cond3A_100 : i32
      scf.if %cond3A_101 {
        %add3A_105 = arith.constant 2 : i32
        %add3A_106 = arith.addi %add3A_71, %add3A_105 : i32
        %dma_wait3A_107 = arith.constant 0 : i32
        %dma_wait3A_108 = tpu.memref_slice %arg3[%add3A_106, %dma_wait3A_107] : memref<2528x128xi32, #tpu.memory_space<hbm>> -> memref<1x128xi32, #tpu.memory_space<hbm>>
        %dma_wait3A_109 = tpu.memref_squeeze %dma_wait3A_108 : memref<1x128xi32, #tpu.memory_space<hbm>> -> memref<128xi32, #tpu.memory_space<hbm>>
        %dma_wait3A_110 = arith.constant 0 : i32
        %dma_wait3A_111 = tpu.memref_slice %arg3[%add3A_106, %dma_wait3A_110] : memref<2528x128xi32, #tpu.memory_space<hbm>> -> memref<1x128xi32, #tpu.memory_space<hbm>>
        %dma_wait3A_112 = tpu.memref_squeeze %dma_wait3A_111 : memref<1x128xi32, #tpu.memory_space<hbm>> -> memref<128xi32, #tpu.memory_space<hbm>>
        tpu.wait_dma2 semaphore(%arg14 : memref<!tpu.dma_semaphore, #tpu.memory_space<semaphore_mem>>) src(%dma_wait3A_112 : memref<128xi32, #tpu.memory_space<hbm>>) dst(%arg7 : memref<128xi32, #tpu.memory_space<vmem>>)
        %add3A_113 = arith.constant 2 : i32
        %add3A_114 = arith.addi %add3A_71, %add3A_113 : i32
        %dma_wait3A_115 = arith.constant 0 : i32
        %dma_wait3A_116 = tpu.memref_slice %arg4[%add3A_114, %dma_wait3A_115] : memref<2528x128xi32, #tpu.memory_space<hbm>> -> memref<1x128xi32, #tpu.memory_space<hbm>>
        %dma_wait3A_117 = tpu.memref_squeeze %dma_wait3A_116 : memref<1x128xi32, #tpu.memory_space<hbm>> -> memref<128xi32, #tpu.memory_space<hbm>>
        %dma_wait3A_118 = arith.constant 0 : i32
        %dma_wait3A_119 = tpu.memref_slice %arg4[%add3A_114, %dma_wait3A_118] : memref<2528x128xi32, #tpu.memory_space<hbm>> -> memref<1x128xi32, #tpu.memory_space<hbm>>
        %dma_wait3A_120 = tpu.memref_squeeze %dma_wait3A_119 : memref<1x128xi32, #tpu.memory_space<hbm>> -> memref<128xi32, #tpu.memory_space<hbm>>
        tpu.wait_dma2 semaphore(%arg14 : memref<!tpu.dma_semaphore, #tpu.memory_space<semaphore_mem>>) src(%dma_wait3A_120 : memref<128xi32, #tpu.memory_space<hbm>>) dst(%arg8 : memref<128xi32, #tpu.memory_space<vmem>>)
        %dma_start3A_121 = arith.constant 0 : i32
        %dma_start3A_122 = arith.constant 0 : i32
        %dma_start3A_123 = tpu.memref_slice %arg2[%dma_start3A_121, %dma_start3A_122] : memref<10000x128xf32, #tpu.memory_space<hbm>> -> memref<10000x128xf32, #tpu.memory_space<hbm>>
        tpu.enqueue_indirect_dma source(%dma_start3A_123 : memref<10000x128xf32, #tpu.memory_space<hbm>>) target(%arg11 : memref<128x128xf32, #tpu.memory_space<vmem>>) offsets(%arg7 : memref<128xi32, #tpu.memory_space<vmem>>) semaphore(%arg16 : memref<!tpu.dma_semaphore, #tpu.memory_space<semaphore_mem>>)
      } else {
      }
      "tpu.region"() ({
        %run_scoped3A = tpu.sem_alloc : memref<!tpu.dma_semaphore, #tpu.memory_space<semaphore_mem>>
        %dma_start3A_105 = arith.constant 0 : i32
        %dma_start3A_106 = arith.constant 0 : i32
        %dma_start3A_107 = tpu.memref_slice %arg13[%dma_start3A_105, %dma_start3A_106] : memref<10240x128xf32, #tpu.memory_space<vmem_shared>> -> memref<10240x128xf32, #tpu.memory_space<vmem_shared>>
        tpu.enqueue_indirect_dma source(%arg12 : memref<128x128xf32, #tpu.memory_space<vmem>>) target(%dma_start3A_107 : memref<10240x128xf32, #tpu.memory_space<vmem_shared>>) offsets(%arg10 : memref<128xi32, #tpu.memory_space<vmem>>) semaphore(%run_scoped3A : memref<!tpu.dma_semaphore, #tpu.memory_space<semaphore_mem>>) {add = true}
        %dma_wait3A_108 = arith.constant 0 : i32
        %dma_wait3A_109 = arith.constant 0 : i32
        %dma_wait3A_110 = tpu.memref_slice %arg13[%dma_wait3A_108, %dma_wait3A_109] : memref<10240x128xf32, #tpu.memory_space<vmem_shared>> -> memref<10240x128xf32, #tpu.memory_space<vmem_shared>>
        tpu.wait_indirect_dma semaphore(%run_scoped3A : memref<!tpu.dma_semaphore, #tpu.memory_space<semaphore_mem>>) src(%arg12 : memref<128x128xf32, #tpu.memory_space<vmem>>) dst(%dma_wait3A_110 : memref<10240x128xf32, #tpu.memory_space<vmem_shared>>)
        tpu.yield
      }) : () -> ()
      %convert_element_type3A_102 = arith.extui %lt3A : i1 to i32
      %cond3A_103 = arith.constant 0 : i32
      %cond3A_104 = arith.cmpi ne, %convert_element_type3A_102, %cond3A_103 : i32
      scf.if %cond3A_104 {
        %add3A_105 = arith.constant 3 : i32
        %add3A_106 = arith.addi %add3A_71, %add3A_105 : i32
        %dma_start3A_107 = arith.constant 0 : i32
        %dma_start3A_108 = tpu.memref_slice %arg3[%add3A_106, %dma_start3A_107] : memref<2528x128xi32, #tpu.memory_space<hbm>> -> memref<1x128xi32, #tpu.memory_space<hbm>>
        %dma_start3A_109 = tpu.memref_squeeze %dma_start3A_108 : memref<1x128xi32, #tpu.memory_space<hbm>> -> memref<128xi32, #tpu.memory_space<hbm>>
        %dma_start3A_110 = arith.constant 0 : i32
        %dma_start3A_111 = tpu.memref_slice %arg3[%add3A_106, %dma_start3A_110] : memref<2528x128xi32, #tpu.memory_space<hbm>> -> memref<1x128xi32, #tpu.memory_space<hbm>>
        %dma_start3A_112 = tpu.memref_squeeze %dma_start3A_111 : memref<1x128xi32, #tpu.memory_space<hbm>> -> memref<128xi32, #tpu.memory_space<hbm>>
        tpu.enqueue_dma source(%dma_start3A_112 : memref<128xi32, #tpu.memory_space<hbm>>) target(%arg9 : memref<128xi32, #tpu.memory_space<vmem>>) target_semaphore(%arg15 : memref<!tpu.dma_semaphore, #tpu.memory_space<semaphore_mem>>)
        %add3A_113 = arith.constant 3 : i32
        %add3A_114 = arith.addi %add3A_71, %add3A_113 : i32
        %dma_start3A_115 = arith.constant 0 : i32
        %dma_start3A_116 = tpu.memref_slice %arg4[%add3A_114, %dma_start3A_115] : memref<2528x128xi32, #tpu.memory_space<hbm>> -> memref<1x128xi32, #tpu.memory_space<hbm>>
        %dma_start3A_117 = tpu.memref_squeeze %dma_start3A_116 : memref<1x128xi32, #tpu.memory_space<hbm>> -> memref<128xi32, #tpu.memory_space<hbm>>
        %dma_start3A_118 = arith.constant 0 : i32
        %dma_start3A_119 = tpu.memref_slice %arg4[%add3A_114, %dma_start3A_118] : memref<2528x128xi32, #tpu.memory_space<hbm>> -> memref<1x128xi32, #tpu.memory_space<hbm>>
        %dma_start3A_120 = tpu.memref_squeeze %dma_start3A_119 : memref<1x128xi32, #tpu.memory_space<hbm>> -> memref<128xi32, #tpu.memory_space<hbm>>
        tpu.enqueue_dma source(%dma_start3A_120 : memref<128xi32, #tpu.memory_space<hbm>>) target(%arg10 : memref<128xi32, #tpu.memory_space<vmem>>) target_semaphore(%arg15 : memref<!tpu.dma_semaphore, #tpu.memory_space<semaphore_mem>>)
      } else {
      }
    }
    %barrier3A_63 = arith.constant 0 : index
    tpu.barrier barrier_id(%barrier3A_63)
    %mul3A_64 = arith.constant 640 : i32
    %mul3A_65 = arith.muli %arg1, %mul3A_64 : i32
    %mul3A_66 = arith.constant 640 : i32
    %mul3A_67 = arith.muli %arg1, %mul3A_66 : i32
    "tpu.region"() ({
      %run_scoped3A = tpu.sem_alloc : memref<!tpu.dma_semaphore, #tpu.memory_space<semaphore_mem>>
      %dma_start3A_68 = arith.constant 0 : i32
      %dma_start3A_69 = tpu.memref_slice %arg6[%arg0, %mul3A_67, %dma_start3A_68] : memref<2x10240x128xf32, #tpu.memory_space<hbm>> -> memref<1x640x128xf32, #tpu.memory_space<hbm>>
      %dma_start3A_70 = tpu.memref_squeeze %dma_start3A_69 : memref<1x640x128xf32, #tpu.memory_space<hbm>> -> memref<640x128xf32, #tpu.memory_space<hbm>>
      %dma_start3A_71 = arith.constant 0 : i32
      %dma_start3A_72 = tpu.memref_slice %arg13[%mul3A_65, %dma_start3A_71] : memref<10240x128xf32, #tpu.memory_space<vmem_shared>> -> memref<640x128xf32, #tpu.memory_space<vmem_shared>>
      tpu.enqueue_dma source(%dma_start3A_72 : memref<640x128xf32, #tpu.memory_space<vmem_shared>>) target(%dma_start3A_70 : memref<640x128xf32, #tpu.memory_space<hbm>>) target_semaphore(%run_scoped3A : memref<!tpu.dma_semaphore, #tpu.memory_space<semaphore_mem>>)
      %dma_wait3A_73 = arith.constant 0 : i32
      %dma_wait3A_74 = tpu.memref_slice %arg6[%arg0, %mul3A_67, %dma_wait3A_73] : memref<2x10240x128xf32, #tpu.memory_space<hbm>> -> memref<1x640x128xf32, #tpu.memory_space<hbm>>
      %dma_wait3A_75 = tpu.memref_squeeze %dma_wait3A_74 : memref<1x640x128xf32, #tpu.memory_space<hbm>> -> memref<640x128xf32, #tpu.memory_space<hbm>>
      %dma_wait3A_76 = arith.constant 0 : i32
      %dma_wait3A_77 = tpu.memref_slice %arg13[%mul3A_65, %dma_wait3A_76] : memref<10240x128xf32, #tpu.memory_space<vmem_shared>> -> memref<640x128xf32, #tpu.memory_space<vmem_shared>>
      tpu.wait_dma2 semaphore(%run_scoped3A : memref<!tpu.dma_semaphore, #tpu.memory_space<semaphore_mem>>) src(%dma_wait3A_77 : memref<640x128xf32, #tpu.memory_space<vmem_shared>>) dst(%dma_wait3A_75 : memref<640x128xf32, #tpu.memory_space<hbm>>)
      tpu.yield
    }) : () -> ()
    return
  }
}

module attributes {stable_mosaic.version = 14 : i64} {
  func.func @body(%arg0: i32, %arg1: memref<2x400x128xf32, #tpu.memory_space<vmem>>, %arg2: memref<400x128xf32, #tpu.memory_space<vmem>>, %arg3: memref<400x64xf32, #tpu.memory_space<vmem>>, %arg4: memref<128x128xf32, #tpu.memory_space<vmem>>, %arg5: memref<1x128xf32, #tpu.memory_space<vmem>>, %arg6: memref<128x2048xf32, #tpu.memory_space<vmem>>, %arg7: memref<1x2048xf32, #tpu.memory_space<vmem>>, %arg8: memref<400x128xf32, #tpu.memory_space<vmem>>, %arg9: memref<64x2048xf32, #tpu.memory_space<vmem>>) attributes {dimension_semantics = [#tpu.dimension_semantics<arbitrary>], iteration_bounds = array<i64: 25>, scalar_prefetch = 0 : i64, scratch_operands = 0 : i64, tpu.core_type = #tpu.core_type<tc>, window_params = [{transform_indices = @transform_0, window_bounds = array<i64: 2, 400, 128>}, {transform_indices = @transform_1, window_bounds = array<i64: 400, 128>}, {transform_indices = @transform_2, window_bounds = array<i64: 400, 64>}, {pipeline_mode = #tpu.pipeline_mode<synchronous>, transform_indices = @transform_3, window_bounds = array<i64: 128, 128>}, {pipeline_mode = #tpu.pipeline_mode<synchronous>, transform_indices = @transform_4, window_bounds = array<i64: 1, 128>}, {pipeline_mode = #tpu.pipeline_mode<synchronous>, transform_indices = @transform_5, window_bounds = array<i64: 128, 2048>}, {pipeline_mode = #tpu.pipeline_mode<synchronous>, transform_indices = @transform_6, window_bounds = array<i64: 1, 2048>}, {transform_indices = @transform_7, window_bounds = array<i64: 400, 128>}, {pipeline_mode = #tpu.pipeline_mode<synchronous>, transform_indices = @transform_8, window_bounds = array<i64: 64, 2048>}]} {
    %get3A = arith.constant 0 : index
    %get3A_0 = arith.constant 0 : index
    %get3A_1 = arith.constant 0 : index
    %get3A_2 = vector.load %arg1[%get3A, %get3A_0, %get3A_1] : memref<2x400x128xf32, #tpu.memory_space<vmem>>, vector<1x400x128xf32>
    %get3A_3 = vector.shape_cast %get3A_2 : vector<1x400x128xf32> to vector<400x128xf32>
    %get3A_4 = arith.constant 1 : index
    %get3A_5 = arith.constant 0 : index
    %get3A_6 = arith.constant 0 : index
    %get3A_7 = vector.load %arg1[%get3A_4, %get3A_5, %get3A_6] : memref<2x400x128xf32, #tpu.memory_space<vmem>>, vector<1x400x128xf32>
    %get3A_8 = vector.shape_cast %get3A_7 : vector<1x400x128xf32> to vector<400x128xf32>
    %add3A = arith.addf %get3A_3, %get3A_8 : vector<400x128xf32>
    %get3A_9 = arith.constant 0 : index
    %get3A_10 = arith.constant 0 : index
    %get3A_11 = vector.load %arg2[%get3A_9, %get3A_10] : memref<400x128xf32, #tpu.memory_space<vmem>>, vector<400x128xf32>
    %add3A_12 = arith.addf %add3A, %get3A_11 : vector<400x128xf32>
    %get3A_13 = arith.constant 0 : index
    %get3A_14 = arith.constant 0 : index
    %get3A_15 = vector.load %arg4[%get3A_13, %get3A_14] : memref<128x128xf32, #tpu.memory_space<vmem>>, vector<128x128xf32>
    %dot_general3A = arith.constant dense<0.000000e+00> : vector<400x128xf32>
    %dot_general3A_16 = tpu.matmul %add3A_12, %get3A_15, %dot_general3A {dimension_numbers = #tpu.dot_dimension_numbers<[1], [0], [0], [1], [0, 0, 1, 1], [], []>, transpose_lhs_hint = false} : vector<400x128xf32>, vector<128x128xf32>, vector<400x128xf32> -> vector<400x128xf32>
    %get3A_17 = arith.constant 0 : index
    %get3A_18 = arith.constant 0 : index
    %get3A_19 = vector.load %arg5[%get3A_17, %get3A_18] : memref<1x128xf32, #tpu.memory_space<vmem>>, vector<1x128xf32>
    %add3A_20 = vector.broadcast %get3A_19 : vector<1x128xf32> to vector<400x128xf32>
    %add3A_21 = arith.addf %dot_general3A_16, %add3A_20 : vector<400x128xf32>
    %neg3A = arith.constant 0.000000e+00 : f32
    %neg3A_22 = vector.broadcast %neg3A : f32 to vector<400x128xf32>
    %neg3A_23 = arith.subf %neg3A_22, %add3A_21 : vector<400x128xf32>
    %exp3A = math.exp %neg3A_23 : vector<400x128xf32>
    %add3A_24 = arith.constant 1.000000e+00 : f32
    %add3A_25 = vector.broadcast %add3A_24 : f32 to vector<400x128xf32>
    %add3A_26 = arith.addf %add3A_25, %exp3A : vector<400x128xf32>
    %div3A = arith.constant 1.000000e+00 : f32
    %div3A_27 = vector.broadcast %div3A : f32 to vector<400x128xf32>
    %div3A_28 = arith.divf %div3A_27, %add3A_26 : vector<400x128xf32>
    %swap3A = arith.constant 0 : index
    %swap3A_29 = arith.constant 0 : index
    %swap3A_30 = vector.load %arg8[%swap3A, %swap3A_29] : memref<400x128xf32, #tpu.memory_space<vmem>>, vector<400x128xf32>
    tpu.vector_store %arg8[%swap3A, %swap3A_29], %div3A_28 {strides = array<i32>} : memref<400x128xf32, #tpu.memory_space<vmem>>, vector<400x128xf32>,
    %get3A_31 = arith.constant 0 : index
    %get3A_32 = arith.constant 0 : index
    %get3A_33 = vector.load %arg6[%get3A_31, %get3A_32] : memref<128x2048xf32, #tpu.memory_space<vmem>>, vector<128x2048xf32>
    %dot_general3A_34 = arith.constant dense<0.000000e+00> : vector<400x2048xf32>
    %dot_general3A_35 = tpu.matmul %div3A_28, %get3A_33, %dot_general3A_34 {dimension_numbers = #tpu.dot_dimension_numbers<[1], [0], [0], [1], [0, 0, 1, 1], [], []>, transpose_lhs_hint = false} : vector<400x128xf32>, vector<128x2048xf32>, vector<400x2048xf32> -> vector<400x2048xf32>
    %get3A_36 = arith.constant 0 : index
    %get3A_37 = arith.constant 0 : index
    %get3A_38 = vector.load %arg7[%get3A_36, %get3A_37] : memref<1x2048xf32, #tpu.memory_space<vmem>>, vector<1x2048xf32>
    %add3A_39 = vector.broadcast %get3A_38 : vector<1x2048xf32> to vector<400x2048xf32>
    %add3A_40 = arith.addf %dot_general3A_35, %add3A_39 : vector<400x2048xf32>
    %reduce_max3A = arith.constant dense<0xFF800000> : vector<400xf32>
    %reduce_max3A_41 = vector.multi_reduction <maximumf>, %add3A_40, %reduce_max3A [1] : vector<400x2048xf32> to vector<400xf32>
    %broadcast_in_dim3A = vector.shape_cast %reduce_max3A_41 : vector<400xf32> to vector<400x1xf32>
    %sub3A = vector.broadcast %broadcast_in_dim3A : vector<400x1xf32> to vector<400x2048xf32>
    %sub3A_42 = arith.subf %add3A_40, %sub3A : vector<400x2048xf32>
    %exp3A_43 = math.exp %sub3A_42 : vector<400x2048xf32>
    %reduce_sum3A = arith.constant dense<0.000000e+00> : vector<400xf32>
    %reduce_sum3A_44 = vector.multi_reduction <add>, %exp3A_43, %reduce_sum3A [1] : vector<400x2048xf32> to vector<400xf32>
    %broadcast_in_dim3A_45 = vector.shape_cast %reduce_sum3A_44 : vector<400xf32> to vector<400x1xf32>
    %div3A_46 = vector.broadcast %broadcast_in_dim3A_45 : vector<400x1xf32> to vector<400x2048xf32>
    %div3A_47 = arith.divf %exp3A_43, %div3A_46 : vector<400x2048xf32>
    %get3A_48 = arith.constant 0 : index
    %get3A_49 = arith.constant 0 : index
    %get3A_50 = vector.load %arg3[%get3A_48, %get3A_49] : memref<400x64xf32, #tpu.memory_space<vmem>>, vector<400x64xf32>
    %dot_general3A_51 = arith.constant dense<0.000000e+00> : vector<64x2048xf32>
    %dot_general3A_52 = tpu.matmul %get3A_50, %div3A_47, %dot_general3A_51 {dimension_numbers = #tpu.dot_dimension_numbers<[0], [0], [1], [1], [0, 1, 1, 1], [], []>, transpose_lhs_hint = false} : vector<400x64xf32>, vector<400x2048xf32>, vector<64x2048xf32> -> vector<64x2048xf32>
    %eq3A = arith.constant 0 : i32
    %eq3A_53 = arith.cmpi eq, %arg0, %eq3A : i32
    %convert_element_type3A = arith.extui %eq3A_53 : i1 to i32
    %cond3A = arith.constant 0 : i32
    %cond3A_54 = arith.cmpi ne, %convert_element_type3A, %cond3A : i32
    scf.if %cond3A_54 {
      %swap3A_59 = arith.constant 0 : index
      %swap3A_60 = arith.constant 0 : index
      %swap3A_61 = vector.load %arg9[%swap3A_59, %swap3A_60] : memref<64x2048xf32, #tpu.memory_space<vmem>>, vector<64x2048xf32>
      tpu.vector_store %arg9[%swap3A_59, %swap3A_60], %dot_general3A_52 {strides = array<i32>} : memref<64x2048xf32, #tpu.memory_space<vmem>>, vector<64x2048xf32>,
    } else {
    }
    %ne3A = arith.constant 0 : i32
    %ne3A_55 = arith.cmpi ne, %arg0, %ne3A : i32
    %convert_element_type3A_56 = arith.extui %ne3A_55 : i1 to i32
    %cond3A_57 = arith.constant 0 : i32
    %cond3A_58 = arith.cmpi ne, %convert_element_type3A_56, %cond3A_57 : i32
    scf.if %cond3A_58 {
      %get3A_59 = arith.constant 0 : index
      %get3A_60 = arith.constant 0 : index
      %get3A_61 = vector.load %arg9[%get3A_59, %get3A_60] : memref<64x2048xf32, #tpu.memory_space<vmem>>, vector<64x2048xf32>
      %add3A_62 = arith.addf %get3A_61, %dot_general3A_52 : vector<64x2048xf32>
      %swap3A_63 = arith.constant 0 : index
      %swap3A_64 = arith.constant 0 : index
      %swap3A_65 = vector.load %arg9[%swap3A_63, %swap3A_64] : memref<64x2048xf32, #tpu.memory_space<vmem>>, vector<64x2048xf32>
      tpu.vector_store %arg9[%swap3A_63, %swap3A_64], %add3A_62 {strides = array<i32>} : memref<64x2048xf32, #tpu.memory_space<vmem>>, vector<64x2048xf32>,
    } else {
    }
    return
  }
  func.func @transform_0(%arg0: i32) -> (i32, i32, i32) {
    %c0_i32 = arith.constant 0 : i32
    %c0_i32_0 = arith.constant 0 : i32
    %c0_i32_1 = arith.constant 0 : i32
    return %c0_i32, %arg0, %c0_i32_0 : i32, i32, i32
  }
  func.func @transform_1(%arg0: i32) -> (i32, i32) {
    %c0_i32 = arith.constant 0 : i32
    %c0_i32_0 = arith.constant 0 : i32
    return %arg0, %c0_i32 : i32, i32
  }
  func.func @transform_2(%arg0: i32) -> (i32, i32) {
    %c0_i32 = arith.constant 0 : i32
    %c0_i32_0 = arith.constant 0 : i32
    return %arg0, %c0_i32 : i32, i32
  }
  func.func @transform_3(%arg0: i32) -> (i32, i32) {
    %c0_i32 = arith.constant 0 : i32
    %c0_i32_0 = arith.constant 0 : i32
    %c0_i32_1 = arith.constant 0 : i32
    return %c0_i32, %c0_i32_0 : i32, i32
  }
  func.func @transform_4(%arg0: i32) -> (i32, i32) {
    %c0_i32 = arith.constant 0 : i32
    %c0_i32_0 = arith.constant 0 : i32
    %c0_i32_1 = arith.constant 0 : i32
    return %c0_i32, %c0_i32_0 : i32, i32
  }
  func.func @transform_5(%arg0: i32) -> (i32, i32) {
    %c0_i32 = arith.constant 0 : i32
    %c0_i32_0 = arith.constant 0 : i32
    %c0_i32_1 = arith.constant 0 : i32
    return %c0_i32, %c0_i32_0 : i32, i32
  }
  func.func @transform_6(%arg0: i32) -> (i32, i32) {
    %c0_i32 = arith.constant 0 : i32
    %c0_i32_0 = arith.constant 0 : i32
    %c0_i32_1 = arith.constant 0 : i32
    return %c0_i32, %c0_i32_0 : i32, i32
  }
  func.func @transform_7(%arg0: i32) -> (i32, i32) {
    %c0_i32 = arith.constant 0 : i32
    %c0_i32_0 = arith.constant 0 : i32
    return %arg0, %c0_i32 : i32, i32
  }
  func.func @transform_8(%arg0: i32) -> (i32, i32) {
    %c0_i32 = arith.constant 0 : i32
    %c0_i32_0 = arith.constant 0 : i32
    %c0_i32_1 = arith.constant 0 : i32
    return %c0_i32, %c0_i32_0 : i32, i32
  }
}

module attributes {stable_mosaic.version = 14 : i64} {
  func.func @body(%arg0: i32, %arg1: memref<2x400x128xf32, #tpu.memory_space<vmem>>, %arg2: memref<400x128xf32, #tpu.memory_space<vmem>>, %arg3: memref<400x64xf32, #tpu.memory_space<vmem>>, %arg4: memref<128x128xf32, #tpu.memory_space<vmem>>, %arg5: memref<1x128xf32, #tpu.memory_space<vmem>>, %arg6: memref<128x2048xf32, #tpu.memory_space<vmem>>, %arg7: memref<1x2048xf32, #tpu.memory_space<vmem>>, %arg8: memref<400x128xf32, #tpu.memory_space<vmem>>, %arg9: memref<64x2048xf32, #tpu.memory_space<vmem>>) attributes {dimension_semantics = [#tpu.dimension_semantics<arbitrary>], iteration_bounds = array<i64: 25>, scalar_prefetch = 0 : i64, scratch_operands = 0 : i64, tpu.core_type = #tpu.core_type<tc>, window_params = [{transform_indices = @transform_0, window_bounds = array<i64: 2, 400, 128>}, {transform_indices = @transform_1, window_bounds = array<i64: 400, 128>}, {transform_indices = @transform_2, window_bounds = array<i64: 400, 64>}, {pipeline_mode = #tpu.pipeline_mode<synchronous>, transform_indices = @transform_3, window_bounds = array<i64: 128, 128>}, {pipeline_mode = #tpu.pipeline_mode<synchronous>, transform_indices = @transform_4, window_bounds = array<i64: 1, 128>}, {pipeline_mode = #tpu.pipeline_mode<synchronous>, transform_indices = @transform_5, window_bounds = array<i64: 128, 2048>}, {pipeline_mode = #tpu.pipeline_mode<synchronous>, transform_indices = @transform_6, window_bounds = array<i64: 1, 2048>}, {transform_indices = @transform_7, window_bounds = array<i64: 400, 128>}, {pipeline_mode = #tpu.pipeline_mode<synchronous>, transform_indices = @transform_8, window_bounds = array<i64: 64, 2048>}]} {
    %get3A = arith.constant 0 : index
    %get3A_0 = arith.constant 0 : index
    %get3A_1 = arith.constant 0 : index
    %get3A_2 = vector.load %arg1[%get3A, %get3A_0, %get3A_1] : memref<2x400x128xf32, #tpu.memory_space<vmem>>, vector<1x400x128xf32>
    %get3A_3 = vector.shape_cast %get3A_2 : vector<1x400x128xf32> to vector<400x128xf32>
    %get3A_4 = arith.constant 1 : index
    %get3A_5 = arith.constant 0 : index
    %get3A_6 = arith.constant 0 : index
    %get3A_7 = vector.load %arg1[%get3A_4, %get3A_5, %get3A_6] : memref<2x400x128xf32, #tpu.memory_space<vmem>>, vector<1x400x128xf32>
    %get3A_8 = vector.shape_cast %get3A_7 : vector<1x400x128xf32> to vector<400x128xf32>
    %add3A = arith.addf %get3A_3, %get3A_8 : vector<400x128xf32>
    %get3A_9 = arith.constant 0 : index
    %get3A_10 = arith.constant 0 : index
    %get3A_11 = vector.load %arg2[%get3A_9, %get3A_10] : memref<400x128xf32, #tpu.memory_space<vmem>>, vector<400x128xf32>
    %add3A_12 = arith.addf %add3A, %get3A_11 : vector<400x128xf32>
    %get3A_13 = arith.constant 0 : index
    %get3A_14 = arith.constant 0 : index
    %get3A_15 = vector.load %arg4[%get3A_13, %get3A_14] : memref<128x128xf32, #tpu.memory_space<vmem>>, vector<128x128xf32>
    %dot_general3A = arith.constant dense<0.000000e+00> : vector<400x128xf32>
    %dot_general3A_16 = tpu.matmul %add3A_12, %get3A_15, %dot_general3A {dimension_numbers = #tpu.dot_dimension_numbers<[1], [0], [0], [1], [0, 0, 1, 1], [], []>, transpose_lhs_hint = false} : vector<400x128xf32>, vector<128x128xf32>, vector<400x128xf32> -> vector<400x128xf32>
    %get3A_17 = arith.constant 0 : index
    %get3A_18 = arith.constant 0 : index
    %get3A_19 = vector.load %arg5[%get3A_17, %get3A_18] : memref<1x128xf32, #tpu.memory_space<vmem>>, vector<1x128xf32>
    %add3A_20 = vector.broadcast %get3A_19 : vector<1x128xf32> to vector<400x128xf32>
    %add3A_21 = arith.addf %dot_general3A_16, %add3A_20 : vector<400x128xf32>
    %neg3A = arith.constant 0.000000e+00 : f32
    %neg3A_22 = vector.broadcast %neg3A : f32 to vector<400x128xf32>
    %neg3A_23 = arith.subf %neg3A_22, %add3A_21 : vector<400x128xf32>
    %exp3A = math.exp %neg3A_23 : vector<400x128xf32>
    %add3A_24 = arith.constant 1.000000e+00 : f32
    %add3A_25 = vector.broadcast %add3A_24 : f32 to vector<400x128xf32>
    %add3A_26 = arith.addf %add3A_25, %exp3A : vector<400x128xf32>
    %div3A = arith.constant 1.000000e+00 : f32
    %div3A_27 = vector.broadcast %div3A : f32 to vector<400x128xf32>
    %div3A_28 = arith.divf %div3A_27, %add3A_26 : vector<400x128xf32>
    %swap3A = arith.constant 0 : index
    %swap3A_29 = arith.constant 0 : index
    %swap3A_30 = vector.load %arg8[%swap3A, %swap3A_29] : memref<400x128xf32, #tpu.memory_space<vmem>>, vector<400x128xf32>
    tpu.vector_store %arg8[%swap3A, %swap3A_29], %div3A_28 {strides = array<i32>} : memref<400x128xf32, #tpu.memory_space<vmem>>, vector<400x128xf32>,
    %get3A_31 = arith.constant 0 : index
    %get3A_32 = arith.constant 0 : index
    %get3A_33 = vector.load %arg6[%get3A_31, %get3A_32] : memref<128x2048xf32, #tpu.memory_space<vmem>>, vector<128x2048xf32>
    %dot_general3A_34 = arith.constant dense<0.000000e+00> : vector<400x2048xf32>
    %dot_general3A_35 = tpu.matmul %div3A_28, %get3A_33, %dot_general3A_34 {dimension_numbers = #tpu.dot_dimension_numbers<[1], [0], [0], [1], [0, 0, 1, 1], [], []>, transpose_lhs_hint = false} : vector<400x128xf32>, vector<128x2048xf32>, vector<400x2048xf32> -> vector<400x2048xf32>
    %get3A_36 = arith.constant 0 : index
    %get3A_37 = arith.constant 0 : index
    %get3A_38 = vector.load %arg7[%get3A_36, %get3A_37] : memref<1x2048xf32, #tpu.memory_space<vmem>>, vector<1x2048xf32>
    %add3A_39 = vector.broadcast %get3A_38 : vector<1x2048xf32> to vector<400x2048xf32>
    %add3A_40 = arith.addf %dot_general3A_35, %add3A_39 : vector<400x2048xf32>
    %reduce_max3A = arith.constant dense<0xFF800000> : vector<400xf32>
    %reduce_max3A_41 = vector.multi_reduction <maximumf>, %add3A_40, %reduce_max3A [1] : vector<400x2048xf32> to vector<400xf32>
    %broadcast_in_dim3A = vector.shape_cast %reduce_max3A_41 : vector<400xf32> to vector<400x1xf32>
    %sub3A = vector.broadcast %broadcast_in_dim3A : vector<400x1xf32> to vector<400x2048xf32>
    %sub3A_42 = arith.subf %add3A_40, %sub3A : vector<400x2048xf32>
    %exp3A_43 = math.exp %sub3A_42 : vector<400x2048xf32>
    %reduce_sum3A = arith.constant dense<0.000000e+00> : vector<400xf32>
    %reduce_sum3A_44 = vector.multi_reduction <add>, %exp3A_43, %reduce_sum3A [1] : vector<400x2048xf32> to vector<400xf32>
    %broadcast_in_dim3A_45 = vector.shape_cast %reduce_sum3A_44 : vector<400xf32> to vector<400x1xf32>
    %div3A_46 = vector.broadcast %broadcast_in_dim3A_45 : vector<400x1xf32> to vector<400x2048xf32>
    %div3A_47 = arith.divf %exp3A_43, %div3A_46 : vector<400x2048xf32>
    %get3A_48 = arith.constant 0 : index
    %get3A_49 = arith.constant 0 : index
    %get3A_50 = vector.load %arg3[%get3A_48, %get3A_49] : memref<400x64xf32, #tpu.memory_space<vmem>>, vector<400x64xf32>
    %dot_general3A_51 = arith.constant dense<0.000000e+00> : vector<64x2048xf32>
    %dot_general3A_52 = tpu.matmul %get3A_50, %div3A_47, %dot_general3A_51 {dimension_numbers = #tpu.dot_dimension_numbers<[0], [0], [1], [1], [0, 1, 1, 1], [], []>, transpose_lhs_hint = false} : vector<400x64xf32>, vector<400x2048xf32>, vector<64x2048xf32> -> vector<64x2048xf32>
    %eq3A = arith.constant 0 : i32
    %eq3A_53 = arith.cmpi eq, %arg0, %eq3A : i32
    %convert_element_type3A = arith.extui %eq3A_53 : i1 to i32
    %cond3A = arith.constant 0 : i32
    %cond3A_54 = arith.cmpi ne, %convert_element_type3A, %cond3A : i32
    scf.if %cond3A_54 {
      %swap3A_59 = arith.constant 0 : index
      %swap3A_60 = arith.constant 0 : index
      %swap3A_61 = vector.load %arg9[%swap3A_59, %swap3A_60] : memref<64x2048xf32, #tpu.memory_space<vmem>>, vector<64x2048xf32>
      tpu.vector_store %arg9[%swap3A_59, %swap3A_60], %dot_general3A_52 {strides = array<i32>} : memref<64x2048xf32, #tpu.memory_space<vmem>>, vector<64x2048xf32>,
    } else {
    }
    %ne3A = arith.constant 0 : i32
    %ne3A_55 = arith.cmpi ne, %arg0, %ne3A : i32
    %convert_element_type3A_56 = arith.extui %ne3A_55 : i1 to i32
    %cond3A_57 = arith.constant 0 : i32
    %cond3A_58 = arith.cmpi ne, %convert_element_type3A_56, %cond3A_57 : i32
    scf.if %cond3A_58 {
      %get3A_59 = arith.constant 0 : index
      %get3A_60 = arith.constant 0 : index
      %get3A_61 = vector.load %arg9[%get3A_59, %get3A_60] : memref<64x2048xf32, #tpu.memory_space<vmem>>, vector<64x2048xf32>
      %add3A_62 = arith.addf %get3A_61, %dot_general3A_52 : vector<64x2048xf32>
      %swap3A_63 = arith.constant 0 : index
      %swap3A_64 = arith.constant 0 : index
      %swap3A_65 = vector.load %arg9[%swap3A_63, %swap3A_64] : memref<64x2048xf32, #tpu.memory_space<vmem>>, vector<64x2048xf32>
      tpu.vector_store %arg9[%swap3A_63, %swap3A_64], %add3A_62 {strides = array<i32>} : memref<64x2048xf32, #tpu.memory_space<vmem>>, vector<64x2048xf32>,
    } else {
    }
    return
  }
  func.func @transform_0(%arg0: i32) -> (i32, i32, i32) {
    %c0_i32 = arith.constant 0 : i32
    %c0_i32_0 = arith.constant 0 : i32
    %c0_i32_1 = arith.constant 0 : i32
    return %c0_i32, %arg0, %c0_i32_0 : i32, i32, i32
  }
  func.func @transform_1(%arg0: i32) -> (i32, i32) {
    %c0_i32 = arith.constant 0 : i32
    %c0_i32_0 = arith.constant 0 : i32
    return %arg0, %c0_i32 : i32, i32
  }
  func.func @transform_2(%arg0: i32) -> (i32, i32) {
    %c0_i32 = arith.constant 0 : i32
    %c0_i32_0 = arith.constant 0 : i32
    return %arg0, %c0_i32 : i32, i32
  }
  func.func @transform_3(%arg0: i32) -> (i32, i32) {
    %c0_i32 = arith.constant 0 : i32
    %c0_i32_0 = arith.constant 0 : i32
    %c0_i32_1 = arith.constant 0 : i32
    return %c0_i32, %c0_i32_0 : i32, i32
  }
  func.func @transform_4(%arg0: i32) -> (i32, i32) {
    %c0_i32 = arith.constant 0 : i32
    %c0_i32_0 = arith.constant 0 : i32
    %c0_i32_1 = arith.constant 0 : i32
    return %c0_i32, %c0_i32_0 : i32, i32
  }
  func.func @transform_5(%arg0: i32) -> (i32, i32) {
    %c0_i32 = arith.constant 0 : i32
    %c0_i32_0 = arith.constant 0 : i32
    %c0_i32_1 = arith.constant 0 : i32
    return %c0_i32, %c0_i32_0 : i32, i32
  }
  func.func @transform_6(%arg0: i32) -> (i32, i32) {
    %c0_i32 = arith.constant 0 : i32
    %c0_i32_0 = arith.constant 0 : i32
    %c0_i32_1 = arith.constant 0 : i32
    return %c0_i32, %c0_i32_0 : i32, i32
  }
  func.func @transform_7(%arg0: i32) -> (i32, i32) {
    %c0_i32 = arith.constant 0 : i32
    %c0_i32_0 = arith.constant 0 : i32
    return %arg0, %c0_i32 : i32, i32
  }
  func.func @transform_8(%arg0: i32) -> (i32, i32) {
    %c0_i32 = arith.constant 0 : i32
    %c0_i32_0 = arith.constant 0 : i32
    %c0_i32_1 = arith.constant 0 : i32
    return %c0_i32, %c0_i32_0 : i32, i32
  }
}

</mosaic_0001>

<sc_bundles>
// kernel: kernel.6.cloned.1.call-start
scs
__scs_entry_jumppad:
0x0: {  	(pc) =	sbr.rel $0x88, $3  }
0x1: {  	(tag) =	ssettag $0x0;
	lr =	simm.s32 $0x1  }
0x2: {  	[smem:$0x3F96] =	sst lr;
	_ =	strace $0xD0000000  }
0x3: {  	_ = 	snop  }
0x4: {  	_ = 	snop  }
0x5: {  	_ = 	snop  }
0x6: {  	_ = 	snop  }
0x7: {  	_ = 	snop  }
__scs_overlays_trampoline_lowered:
0x8: {  	[smem:$0x3FA5] =	sst s0  }
0x9: {  	[smem:$0x3FA6] =	sst s1  }
0xa: {  	[smem:$0x3FA7] =	sst s2  }
0xb: {  	[smem:$0x3FA8] =	sst s3  }
0xc: {  	[smem:$0x3FA9] =	sst s4  }
0xd: {  	[smem:$0x3FAA] =	sst s5  }
0xe: {  	[smem:$0x3FAB] =	sst s6  }
0xf: {  	[smem:$0x3FAC] =	sst s7  }
0x10: {  	[smem:$0x3FAD] =	sst s8  }
0x11: {  	[smem:$0x3FAE] =	sst s9;
	s0 =	simm.s32 @!p0 $0x0  }
0x12: {  	s1 =	sld [smem:$0x3F94];
	s0 =	simm.s32 @p0 $0x1  }
0x13: {  	[smem:$0x3FAF] =	sst s0;
	s0 =	simm.s32 @!p1 $0x0  }
0x14: {  	s2 =	sld [smem:$0x3F93];
	s0 =	simm.s32 @p1 $0x1  }
0x15: {  	[smem:$0x3FB0] =	sst s0;
	s0 =	simm.s32 @!p2 $0x0  }
0x16: {  	s3 =	sld [smem:$0x3FDB];
	s0 =	simm.s32 @p2 $0x1  }
0x17: {  	s4 =	simm.s32 $0x1BF5;
	[smem:$0x3FB2] =	sst s0  }
0x18: {  	s0 =	sld [smem:$0x3F95];
	_ =	swait.ge [sflag:s4], $0x0  }
0x19: {  	s7 =	sld [smem:$0x3F96]  }
0x1a: {  	s8 =	sadd.s32 $0xFFFFE003, lr  }
0x1b: {  	s9 =	sadd.s32 $0xFFFFFEF7, lr;
	s5 =	simm.s32 $0xFFFFFFFF;
	p2 =	slt.u32 s8, $0xFFFFF086  }
0x1c: {  	p1 =	slt.u32 s9, $0xF7A;
	s5 =	simm.s32 @!p2 $0x0  }
0x1d: {  	s5 =	simm.s32 @p1 $0x1;
	p0 =	seq.s32 s7, s2  }
0x1e: {  	s7 =	smul.u32 @!p0 $0xF7A, s2;
	p2 =	seq.s32 @!p0 s5, $0x0  }
0x1f: {  	s9 =	smul.u32 $0xF7A, s1;
	s8 =	simm.s32 @!p0 $0x1BF5;
	p2 =	por !p2, p0  }
0x20: {  	[sflag:s8] =	ssyncset.s32 @!p0 $0xFFFFF086;
	s6 =	sadd.s32 @!p0 s3, s7;
	s7 =	simm.s32 @!p0 $0x108  }
0x21: {  	s3 =	sadd.s32 s3, s9;
	s6 =	sadd.s32 @!p0 $0x88, s6;
	s7 =	simm.s32 @p2 $0x1082  }
0x22: {  	[simem:s7], [sflag:s8] =	dma.local @!p0 [hbm:s6], $0xF7A  }
0x23: {  	s9 =	sor.u32 $0xD0000000, s2;
	s6 =	simm.s32 $0x108;
	_ =	swait.ge @!p0 [sflag:s8], $0x0  }
0x24: {  	s3 =	sadd.s32 $0x88, s3;
	s6 =	simm.s32 @!p1 $0x1082;
	[sflag:s4] =	ssyncset.s32 $0xFFFFF086  }
0x25: {  	[simem:s6], [sflag:s4] =	dma.local [hbm:s3], $0xF7A  }
0x26: {  	[smem:$0x3F96] =	sst s1;
	(tag) =	ssettag s2;
	_ =	strace s9  }
0x27: {  	s1 =	sld [smem:$0x3FA6]  }
0x28: {  	s2 =	sld [smem:$0x3FA7]  }
0x29: {  	s4 =	sld [smem:$0x3FA9]  }
0x2a: {  	p0 =	seq.s32 s5, $0x0;
	s5 =	sld [smem:$0x3FAA]  }
0x2b: {  	s6 =	sld [smem:$0x3FAB]  }
0x2c: {  	s7 =	sld [smem:$0x3FAC]  }
0x2d: {  	s3 =	simm.s32 $0x108;
	s8 =	sld [smem:$0x3FAD]  }
0x2e: {  	s3 =	simm.s32 @!p0 $0x1082;
	s9 =	sld [smem:$0x3FAE]  }
0x2f: {  	lr =	sadd.s32 s0, s3;
	s0 =	sld [smem:$0x3FA5]  }
0x30: {  	s3 =	sld [smem:$0x3FA8]  }
0x31: {  	[smem:$0x3FB1] =	sst s10  }
0x32: {  	s10 =	sld [smem:$0x3FAF];
	_ =	sdelay $0x3  }
0x33: {  	p0 =	seq.s32 s10, $0x1;
	s10 =	sld [smem:$0x3FB1];
	_ =	sdelay $0x3  }
0x34: {  	[smem:$0x3FB1] =	sst s10  }
0x35: {  	s10 =	sld [smem:$0x3FB0];
	_ =	sdelay $0x3  }
0x36: {  	p1 =	seq.s32 s10, $0x1;
	s10 =	sld [smem:$0x3FB1];
	_ =	sdelay $0x3  }
0x37: {  	[smem:$0x3FB1] =	sst s10  }
0x38: {  	s10 =	sld [smem:$0x3FB2]  }
0x39: {  	_ = 	snop;
	(pc) =	sbr.ind lr, $3  }
0x3a: {  	_ = 	snop  }
0x3b: {  	_ = 	snop  }
0x3c: {  	p2 =	seq.s32 s10, $0x1;
	s10 =	sld [smem:$0x3FB1]  }
0x3d: {  	_ =	shalt  }
0x3e: {  	_ =	shalt  }
0x3f: {  	_ =	shalt  }
0x40: {  	_ =	shalt  }
0x41: {  	_ =	shalt  }
0x42: {  	_ =	shalt  }
0x43: {  	_ =	shalt  }
0x44: {  	_ =	shalt  }
0x45: {  	_ =	shalt  }
0x46: {  	_ =	shalt  }
0x47: {  	_ =	shalt  }
0x48: {  	_ =	shalt  }
0x49: {  	_ =	shalt  }
0x4a: {  	_ =	shalt  }
0x4b: {  	_ =	shalt  }
0x4c: {  	_ =	shalt  }
0x4d: {  	_ =	shalt  }
0x4e: {  	_ =	shalt  }
0x4f: {  	_ =	shalt  }
0x50: {  	_ =	shalt  }
0x51: {  	_ =	shalt  }
0x52: {  	_ =	shalt  }
0x53: {  	_ =	shalt  }
0x54: {  	_ =	shalt  }
0x55: {  	_ =	shalt  }
0x56: {  	_ =	shalt  }
0x57: {  	_ =	shalt  }
0x58: {  	_ =	shalt  }
0x59: {  	_ =	shalt  }
0x5a: {  	_ =	shalt  }
0x5b: {  	_ =	shalt  }
0x5c: {  	_ =	shalt  }
0x5d: {  	_ =	shalt  }
0x5e: {  	_ =	shalt  }
0x5f: {  	_ =	shalt  }
0x60: {  	_ =	shalt  }
0x61: {  	_ =	shalt  }
0x62: {  	_ =	shalt  }
0x63: {  	_ =	shalt  }
0x64: {  	_ =	shalt  }
0x65: {  	_ =	shalt  }
0x66: {  	_ =	shalt  }
0x67: {  	_ =	shalt  }
0x68: {  	_ =	shalt  }
0x69: {  	_ =	shalt  }
0x6a: {  	_ =	shalt  }
0x6b: {  	_ =	shalt  }
0x6c: {  	_ =	shalt  }
0x6d: {  	_ =	shalt  }
0x6e: {  	_ =	shalt  }
0x6f: {  	_ =	shalt  }
0x70: {  	_ =	shalt  }
0x71: {  	_ =	shalt  }
0x72: {  	_ =	shalt  }
0x73: {  	_ =	shalt  }
0x74: {  	_ =	shalt  }
0x75: {  	_ =	shalt  }
0x76: {  	_ =	shalt  }
0x77: {  	_ =	shalt  }
0x78: {  	_ =	shalt  }
0x79: {  	_ =	shalt  }
0x7a: {  	_ =	shalt  }
0x7b: {  	_ =	shalt  }
0x7c: {  	_ =	shalt  }
0x7d: {  	_ =	shalt  }
0x7e: {  	_ =	shalt  }
0x7f: {  	_ =	shalt  }
0x80: {  	_ =	shalt  }
0x81: {  	_ =	shalt  }
0x82: {  	_ =	shalt  }
0x83: {  	_ =	shalt  }
0x84: {  	_ =	shalt  }
0x85: {  	_ =	shalt  }
0x86: {  	_ =	shalt  }
0x87: {  	_ =	shalt  }
.Lfunc_end0:
.L_simem_size_0:
called_computation_lowered:
.L_overlay_start_0:
0x88: {  	s2 =	sld [smem:$0x3FD9]  }
0x89: {  	s3 =	sld [smem:$0x3FFE];
	_ =	sdelay $0x1  }
0x8a: {  	s1 =	srdreg.scid  }
0x8b: {  	s0 =	sand.u32 $0x1, s1  }
0x8c: {  	s17 =	sshll.u32 s0, $0xA;
	s2 =	sadd.s32 s3, s2  }
0x8d: {  	s2 =	sadd.s32 s2, s17  }
0x8e: {  	[smem:$0x3FBD] =	sst s2  }
0x8f: {  	_ = 	snop  }
0x90: {  	s2 =	sld [smem:$0x3FC9];
	(tm) =	ssettm $0x1  }
0x91: {  	s18 =	sld [smem:$0x3FFB];
	_ =	sdelay $0x3  }
0x92: {  	_ =	strace s18  }
0x93: {  	s3 =	sld [smem:$0x3FFC];
	_ =	sdelay $0x3  }
0x94: {  	_ =	strace s3  }
0x95: {  	s3 =	sld [smem:$0x3FFD];
	_ =	sdelay $0x3  }
0x96: {  	_ =	strace s3  }
0x97: {  	_ =	strace $0x8FFFFFFF  }
0x98: {  	s19 =	sld [smem:$0x3FDB];
	_ =	sdelay $0x1  }
0x99: {  	s4 =	simm.s32 $_scs_section_size  }
0x9a: {  	s5 =	simm.s32 $_size__tile_overlayer_lowered;
	s6 =	simm.s32 $_tile_overlayer_lowered  }
0x9b: {  	s22 =	simm.s32 $0x1BFF;
	s21 =	sshll.u32 s6, $0x1;
	s3 =	sadd.s32 s4, s19  }
0x9c: {  	s7 =	simm.s32 $0x0;
	s20 =	sshll.u32 s5, $0x1;
	s5 =	sadd.s32 s21, s3  }
0x9d: {  	[timem:s7], [sflag:s22] =	dma.local [hbm:s5], s20  }
0x9e: {  	_ =	swait.ge [sflag:s22], s20  }
0x9f: {  	s4 =	ssub.s32 $0x0, s20;
	[sflag:s22] =	ssyncset.done $0x0  }
0xa0: {  	[sflag:s22] =	ssyncadd.s32 s4;
	_ =	sdelay $0x1  }
0xa1: {  	s23 =	simm.s32 $0x1B8B  }
0xa2: {  	_ =	swait.ge [sflag:s23], $0x1  }
0xa3: {  	[sflag:s23] =	ssyncset.done $0x0  }
0xa4: {  	s25 =	simm.s32 $0x1B8E;
	s24 =	sld [smem:$0x3FFE];
	[sflag:s23] =	ssyncadd.s32 $0xFFFFFFFF  }
0xa5: {  	s26 =	simm.s32 $execute0_lowered;
	[smem:$0x3FD2] =	sst s25  }
0xa6: {  	s5 =	sshll.u32 s26, $0x1;
	_ =	strace $0x80000046;
	[dreg:$0x1] =	wrdreg $0xFFFFFFFF  }
0xa7: {  	s28 =	simm.s32 $_size_execute0_lowered;
	s3 =	sadd.s32 s3, s5;
	[dreg:$0x0] =	wrdreg $0x0  }
0xa8: {  	s5 =	sshll.u32 s28, $0x1;
	[dreg:$0x2] =	wrdreg s3  }
0xa9: {  	[dreg:$0x3] =	wrdreg s5  }
0xaa: {  	[dreg:$0x4] =	wrdreg $0xC0  }
0xab: {  	_ =	task [dreg:s7], $0x5FFFF  }
0xac: {  	[dreg:$0x1] =	wrdreg $0xFFFFFFFF  }
0xad: {  	[dreg:$0x0] =	wrdreg $0x60  }
0xae: {  	[dreg:$0x2] =	wrdreg s2  }
0xaf: {  	[dreg:$0x3] =	wrdreg s24  }
0xb0: {  	[dreg:$0x4] =	wrdreg $0x82000  }
0xb1: {  	[dreg:$0x5] =	wrdreg $0x9  }
0xb2: {  	_ =	task.clear_ibuf [dreg:s7], $0x6FFFF;
	_ =	strace $0x90000046  }
0xb3: {  	s29 =	simm.s32 $0x9;
	_ =	strace $0x80000048  }
0xb4: {  	_ =	swait.ge [sflag:s29], $0x1  }
0xb5: {  	[sflag:s29] =	ssyncadd.s32 $0xFFFFFFFF  }
0xb6: {  	_ =	strace $0x90000048  }
0xb7: {  	_ =	sfence  }
0xb8: {  	s30 =	sld [smem:$0x0];
	_ =	sdelay $0x2  }
0xb9: {  	s31 =	sshll.u32 s1, $0xD;
	s1 =	sshrl.u32 s1, $0x2  }
0xba: {  	s3 =	sand.u32 $0x4000, s31;
	s1 =	sadd.s32 s1, s30  }
0xbb: {  	s0 =	sor.u32 s3, s0;
	s1 =	sshll.u32 s1, $0x11  }
0xbc: {  	s0 =	sor.u32 s1, s0  }
0xbd: {  	s0 =	sadd.s32 $0x8F2B, s0  }
0xbe: {  	[sflag:s0] =	ssyncadd.remote.s32 $0x1  }
0xbf: {  	_ =	sfence.sel $0xFFFF  }
0xc0: {  	[dreg:$0x0] =	wrdreg $0xFFFFFFFF;
	(pc) =	sbr.abs _section_cstart, $3  }
0xc1: {  	[dreg:$0x1] =	wrdreg $0xFFFFFFFF  }
0xc2: {  	_ =	task.clear_ibuf [dreg:s7], $0x2FFFF;
	_ =	strace $0x9FFFFFFF  }
0xc3: {  	(tm) =	ssettm $0x7FFFFFFF  }
tec
execute0_lowered:
.L_overlay_start_1:
0x0: {  	(tag) =	ssettag $0x1  }
0x1: {  	s2 =	rddreg [dreg:$0x0]  }
0x2: {  	s5 =	rddreg [dreg:$0x1]  }
0x3: {  	s3 =	rddreg [dreg:$0x2]  }
0x4: {  	s1 =	stileid.u32;
	s4 =	simm.s32 $0x0;
	s7 =	srdreg.scid  }
0x5: {  	s17 =	simm.s32 $0x80;
	s18 =	simm.s32 $0x100;
	s19 =	simm.s32 $0x180  }
0x6: {  	s20 =	simm.s32 $0x1;
	s21 =	simm.s32 $0x200;
	s22 =	simm.s32 $0x3  }
0x7: {  	s23 =	simm.s32 $0x2;
	s24 =	simm.s32 $0x4200;
	s6 =	smul.u32 $0x14000, s1  }
0x8: {  	[smem:$0x7FF] =	sst s4;
	s7 =	sand.u32 $0x1, s7;
	s12 =	smul.u32 $0x50000, s1  }
0x9: {  	s10 =	sadd.s32 $0xC800, s5;
	s11 =	sadd.s32 $0x2A00, s5;
	s14 =	smul.u32 $0x30, s1  }
0xa: {  	s28 =	sshll.u32 s1, $0x6;
	_ =	strace $0x80000047;
	s9 =	smul.u32 $0x140000, s7  }
0xb: {  	s25 =	ssub.s32 $0x2, s7;
	p0 =	seq.s32 s7, $0x0;
	s8 =	sshrl.u32 s6, $0x3  }
0xc: {  	s13 =	sshrl.u32 s25, $0x1;
	s26 =	sshrl.u32 s12, $0x2;
	s7 =	sadd.s32 $0x6E0, s14  }
0xd: {  	s12 =	simm.s32 $0x37;
	s8 =	sadd.s32 s8, s5;
	s6 =	sadd.s32 s6, s9  }
0xe: {  	s13 =	ssub.s32 s25, s13;
	s16 =	sadd.s32 s26, s3;
	s6 =	sshrl.u32 s6, $0x3  }
0xf: {  	s12 =	simm.s32 @!p0 $0x18;
	s15 =	sadd.s32 s6, s5;
	s6 =	smul.u32 $0x6E, s1  }
0x10: {  	s25 =	simm.s32 $0x4;
	s26 =	simm.s32 $0x0;
	s31 =	sshll.u32 s12, $0x5  }
0x11: {  	s13 =	smax.u32 s13, $0x1;
	s5 =	sadd.s32 $0x16600, s8;
	s7 =	smov.u32 @p0 s6  }
0x12: {  	s14 =	sadd.s32 $0xFFFFFFE0, s31;
	s6 =	sor.u32 $0x1C05, s28;
	s29 =	sshll.u32 s7, $0x4  }
0x13: {  	s30 =	sor.u32 $0x10, s29;
	s7 =	sadd.s32 s10, s29;
	s8 =	sadd.s32 s11, s29  }
0x14: {  	s9 =	sadd.s32 s10, s30;
	s10 =	sadd.s32 s11, s30;
	s11 =	sadd.s32 $0xFFFFFFFF, s12  }
0x15: {  	s12 =	sadd.s32 $0x3E600, s15;
	s15 =	sshrl.u32 s16, $0x3;
	s16 =	simm.s32 $0x5  }
.LBB2_1:
0x16: {  	[spmem:s15], [sflag:s6] =	dma.local [hbm:s5], $0x2800  }
0x17: {  	_ =	swait.ge [sflag:s16], $0x2800  }
0x18: {  	[sflag:s16] =	ssyncset.done $0x0  }
0x19: {  	[sflag:s16] =	ssyncadd.s32 $0xFFFFD800  }
0x1a: {  	[bflag:$0x0] =	sbarrier.arrive $0xFFFF  }
0x1b: {  	[tilespmem:s4], [sflag:$0x1] =	stream.linear.gather [hbm4b:s7+s4], $0x80, $0x38;
	[tilespmem:$0x1C200] =	vst v63  }
0x1c: {  	_ = 	snop  }
0x1d: {  	[tilespmem:s17], [sflag:$0x1] =	stream.linear.gather [hbm4b:s8+s4], $0x80, $0x38;
	[tilespmem:$0x1C200] =	vst v63  }
0x1e: {  	_ = 	snop  }
0x1f: {  	[tilespmem:s18], [sflag:$0x2] =	stream.linear.gather [hbm4b:s9+s4], $0x80, $0x38;
	[tilespmem:$0x1C200] =	vst v63  }
0x20: {  	_ = 	snop  }
0x21: {  	[tilespmem:s19], [sflag:$0x2] =	stream.linear.gather [hbm4b:s10+s4], $0x80, $0x38;
	[tilespmem:$0x1C200] =	vst v63  }
0x22: {  	_ =	swait.ge [sflag:s20], $0x80  }
0x23: {  	[sflag:s20] =	ssyncset.done $0x0  }
0x24: {  	[sflag:s20] =	ssyncadd.s32 $0xFFFFFF80  }
0x25: {  	_ =	swait.ge [sflag:s20], $0x80  }
0x26: {  	[sflag:s20] =	ssyncset.done $0x0  }
0x27: {  	[sflag:s20] =	ssyncadd.s32 $0xFFFFFF80  }
0x28: {  	[tilespmem:s21], [sflag:$0x3] =	stream.indirect.gather [hbm4b:s2+s17], $0x80, s4, s17, $0xb8;
	[tilespmem:$0x1C200] =	vst v63  }
0x29: {  	_ =	swait.ge [sflag:s22], $0x4000  }
0x2a: {  	[sflag:s22] =	ssyncset.done $0x0  }
0x2b: {  	[sflag:s22] =	ssyncadd.s32 $0xFFFFC000  }
0x2c: {  	_ =	swait.ge [sflag:s23], $0x80  }
0x2d: {  	[sflag:s23] =	ssyncset.done $0x0  }
0x2e: {  	[sflag:s23] =	ssyncadd.s32 $0xFFFFFF80  }
0x2f: {  	_ =	swait.ge [sflag:s23], $0x80  }
0x30: {  	[sflag:s23] =	ssyncset.done $0x0  }
0x31: {  	[sflag:s23] =	ssyncadd.s32 $0xFFFFFF80  }
0x32: {  	[tilespmem:s24], [sflag:$0x4] =	stream.indirect.gather [hbm4b:s2+s17], $0x80, s18, s17, $0xb8;
	[tilespmem:$0x1C200] =	vst v63  }
0x33: {  	_ = 	snop  }
0x34: {  	[spmem:s3] =	stream.indirect.scatter.add.f32 [tilespmem:s21], [sflag:$0x5], $0x80, s17, s17, $0xb8;
	[tilespmem:$0x1C200] =	vst v63  }
0x35: {  	_ =	swait.ge [sflag:s16], $0x4000  }
0x36: {  	s28 =	sadd.s32 $0x0, s7;
	[sflag:s16] =	ssyncset.done $0x0  }
0x37: {  	s30 =	sadd.s32 $0x0, s8;
	s29 =	sadd.s32 $0x20, s28;
	[sflag:s16] =	ssyncadd.s32 $0xFFFFC000  }
0x38: {  	[tilespmem:s4], [sflag:$0x1] =	stream.linear.gather [hbm4b:s29+s4], $0x80, $0x38;
	[tilespmem:$0x1C200] =	vst v63  }
0x39: {  	s29 =	sadd.s32 $0x20, s30  }
0x3a: {  	[tilespmem:s17], [sflag:$0x1] =	stream.linear.gather [hbm4b:s29+s4], $0x80, $0x38;
	[tilespmem:$0x1C200] =	vst v63  }
0x3b: {  	_ =	swait.ge [sflag:s25], $0x4000  }
0x3c: {  	[sflag:s25] =	ssyncset.done $0x0  }
0x3d: {  	[sflag:s25] =	ssyncadd.s32 $0xFFFFC000  }
0x3e: {  	_ =	swait.ge [sflag:s20], $0x80  }
0x3f: {  	[sflag:s20] =	ssyncset.done $0x0  }
0x40: {  	[sflag:s20] =	ssyncadd.s32 $0xFFFFFF80  }
0x41: {  	_ =	swait.ge [sflag:s20], $0x80  }
0x42: {  	[sflag:s20] =	ssyncset.done $0x0  }
0x43: {  	[sflag:s20] =	ssyncadd.s32 $0xFFFFFF80  }
0x44: {  	[tilespmem:s21], [sflag:$0x3] =	stream.indirect.gather [hbm4b:s2+s17], $0x80, s4, s17, $0xb8;
	[tilespmem:$0x1C200] =	vst v63  }
0x45: {  	p0 =	sne.s32 s14, $0x20  }
0x46: {  	[spmem:s3] =	stream.indirect.scatter.add.f32 [tilespmem:s24], [sflag:$0x5], $0x80, s19, s17, $0xb8;
	[tilespmem:$0x1C200] =	vst v63  }
.Ltmp0:
0x47: {  	_ =	swait.ge [sflag:s16], $0x4000;
	(pc) =	sbr.rel @!p0 .LBB2_3-.Ltmp0, $4  }
0x48: {  	[sflag:s16] =	ssyncset.done $0x0  }
0x49: {  	s28 =	sadd.s32 $0x30, s28;
	[sflag:s16] =	ssyncadd.s32 $0xFFFFC000  }
0x4a: {  	[tilespmem:s18], [sflag:$0x2] =	stream.linear.gather [hbm4b:s28+s4], $0x80, $0x38;
	[tilespmem:$0x1C200] =	vst v63  }
0x4b: {  	s30 =	sadd.s32 $0x30, s30;
	s29 =	simm.s32 $0x1;
	s28 =	simm.s32 $0x20  }
.LBB2_2:
0x4c: {  	[tilespmem:s19], [sflag:$0x2] =	stream.linear.gather [hbm4b:s30+s4], $0x80, $0x38;
	[tilespmem:$0x1C200] =	vst v63  }
0x4d: {  	s30 =	smov.u32 s28;
	s28 =	sadd.s32 $0x20, s28;
	_ =	swait.ge [sflag:s22], $0x4000  }
0x4e: {  	p0 =	sne.s32 s14, s28;
	[sflag:s22] =	ssyncset.done $0x0  }
0x4f: {  	[sflag:s22] =	ssyncadd.s32 $0xFFFFC000  }
0x50: {  	_ =	swait.ge [sflag:s23], $0x80  }
0x51: {  	[sflag:s23] =	ssyncset.done $0x0  }
0x52: {  	[sflag:s23] =	ssyncadd.s32 $0xFFFFFF80  }
0x53: {  	_ =	swait.ge [sflag:s23], $0x80  }
0x54: {  	[sflag:s23] =	ssyncset.done $0x0  }
0x55: {  	[sflag:s23] =	ssyncadd.s32 $0xFFFFFF80  }
0x56: {  	[tilespmem:s24], [sflag:$0x4] =	stream.indirect.gather [hbm4b:s2+s17], $0x80, s18, s17, $0xb8;
	[tilespmem:$0x1C200] =	vst v63  }
0x57: {  	_ = 	snop  }
0x58: {  	[spmem:s3] =	stream.indirect.scatter.add.f32 [tilespmem:s21], [sflag:$0x5], $0x80, s17, s17, $0xb8;
	[tilespmem:$0x1C200] =	vst v63  }
0x59: {  	_ =	swait.ge [sflag:s16], $0x4000  }
0x5a: {  	s31 =	sadd.s32 s30, s7;
	[sflag:s16] =	ssyncset.done $0x0  }
0x5b: {  	s30 =	sadd.s32 s30, s8;
	s0 =	sadd.s32 $0x20, s31;
	[sflag:s16] =	ssyncadd.s32 $0xFFFFC000  }
0x5c: {  	[tilespmem:s4], [sflag:$0x1] =	stream.linear.gather [hbm4b:s0+s4], $0x80, $0x38;
	[tilespmem:$0x1C200] =	vst v63  }
0x5d: {  	s0 =	sadd.s32 $0x20, s30  }
0x5e: {  	[tilespmem:s17], [sflag:$0x1] =	stream.linear.gather [hbm4b:s0+s4], $0x80, $0x38;
	[tilespmem:$0x1C200] =	vst v63  }
0x5f: {  	_ =	swait.ge [sflag:s25], $0x4000  }
0x60: {  	[sflag:s25] =	ssyncset.done $0x0  }
0x61: {  	[sflag:s25] =	ssyncadd.s32 $0xFFFFC000  }
0x62: {  	_ =	swait.ge [sflag:s20], $0x80  }
0x63: {  	[sflag:s20] =	ssyncset.done $0x0  }
0x64: {  	[sflag:s20] =	ssyncadd.s32 $0xFFFFFF80  }
0x65: {  	_ =	swait.ge [sflag:s20], $0x80  }
0x66: {  	[sflag:s20] =	ssyncset.done $0x0  }
0x67: {  	[sflag:s20] =	ssyncadd.s32 $0xFFFFFF80  }
0x68: {  	[tilespmem:s21], [sflag:$0x3] =	stream.indirect.gather [hbm4b:s2+s17], $0x80, s4, s17, $0xb8;
	[tilespmem:$0x1C200] =	vst v63  }
0x69: {  	_ = 	snop  }
0x6a: {  	[spmem:s3] =	stream.indirect.scatter.add.f32 [tilespmem:s24], [sflag:$0x5], $0x80, s19, s17, $0xb8;
	[tilespmem:$0x1C200] =	vst v63  }
.Ltmp1:
0x6b: {  	_ =	swait.ge [sflag:s16], $0x4000;
	(pc) =	sbr.rel @p0 .LBB2_2-.Ltmp1, $4  }
0x6c: {  	[sflag:s16] =	ssyncset.done $0x0  }
0x6d: {  	s0 =	sadd.s32 $0x30, s31;
	[sflag:s16] =	ssyncadd.s32 $0xFFFFC000  }
0x6e: {  	[tilespmem:s18], [sflag:$0x2] =	stream.linear.gather [hbm4b:s0+s4], $0x80, $0x38;
	[tilespmem:$0x1C200] =	vst v63  }
0x6f: {  	s29 =	sadd.s32 $0x1, s29;
	s30 =	sadd.s32 $0x30, s30  }
.LBB2_3:
0x70: {  	[tilespmem:s19], [sflag:$0x2] =	stream.linear.gather [hbm4b:s30+s4], $0x80, $0x38;
	[tilespmem:$0x1C200] =	vst v63  }
0x71: {  	_ =	swait.ge [sflag:s22], $0x4000  }
0x72: {  	[sflag:s22] =	ssyncset.done $0x0  }
0x73: {  	[sflag:s22] =	ssyncadd.s32 $0xFFFFC000  }
0x74: {  	_ =	swait.ge [sflag:s23], $0x80  }
0x75: {  	[sflag:s23] =	ssyncset.done $0x0  }
0x76: {  	[sflag:s23] =	ssyncadd.s32 $0xFFFFFF80  }
0x77: {  	_ =	swait.ge [sflag:s23], $0x80  }
0x78: {  	[sflag:s23] =	ssyncset.done $0x0  }
0x79: {  	[sflag:s23] =	ssyncadd.s32 $0xFFFFFF80  }
0x7a: {  	[tilespmem:s24], [sflag:$0x4] =	stream.indirect.gather [hbm4b:s2+s17], $0x80, s18, s17, $0xb8;
	[tilespmem:$0x1C200] =	vst v63  }
0x7b: {  	_ = 	snop  }
0x7c: {  	[spmem:s3] =	stream.indirect.scatter.add.f32 [tilespmem:s21], [sflag:$0x5], $0x80, s17, s17, $0xb8;
	[tilespmem:$0x1C200] =	vst v63  }
0x7d: {  	p0 =	slt.u32 s29, s11;
	_ =	swait.ge [sflag:s16], $0x4000  }
0x7e: {  	s0 =	sadd.s32 @p0 s28, s7;
	[sflag:s16] =	ssyncset.done $0x0  }
0x7f: {  	s30 =	simm.s32 @p0 $0x0;
	s0 =	sadd.s32 @p0 $0x20, s0;
	[sflag:s16] =	ssyncadd.s32 $0xFFFFC000  }
0x80: {  	[tilespmem:s30], [sflag:$0x1] =	stream.linear.gather @p0 [hbm4b:s0+s30], $0x80, $0x38;
	[tilespmem:$0x1C200] =	vst v63  }
0x81: {  	s0 =	sadd.s32 @p0 s28, s8  }
0x82: {  	s31 =	simm.s32 @p0 $0x80;
	s0 =	sadd.s32 @p0 $0x20, s0  }
0x83: {  	[tilespmem:s31], [sflag:$0x1] =	stream.linear.gather @p0 [hbm4b:s0+s30], $0x80, $0x38;
	[tilespmem:$0x1C200] =	vst v63  }
0x84: {  	s0 =	simm.s32 @p0 $0x4  }
0x85: {  	_ =	swait.ge @p0 [sflag:s0], $0x4000  }
0x86: {  	[sflag:s0] =	ssyncset.done @p0 $0x0  }
0x87: {  	[sflag:s0] =	ssyncadd.s32 @p0 $0xFFFFC000;
	s0 =	simm.s32 @p0 $0x1  }
0x88: {  	_ =	swait.ge @p0 [sflag:s0], $0x80  }
0x89: {  	[sflag:s0] =	ssyncset.done @p0 $0x0  }
0x8a: {  	[sflag:s0] =	ssyncadd.s32 @p0 $0xFFFFFF80  }
0x8b: {  	_ =	swait.ge @p0 [sflag:s0], $0x80  }
0x8c: {  	[sflag:s0] =	ssyncset.done @p0 $0x0  }
0x8d: {  	[sflag:s0] =	ssyncadd.s32 @p0 $0xFFFFFF80;
	s0 =	simm.s32 @p0 $0x200  }
0x8e: {  	[tilespmem:s0], [sflag:$0x3] =	stream.indirect.gather @p0 [hbm4b:s2+s31], $0x80, s30, s31, $0xb8;
	[tilespmem:$0x1C200] =	vst v63  }
0x8f: {  	s0 =	simm.s32 @!p0 $0x4  }
0x90: {  	_ =	swait.ge @!p0 [sflag:s0], $0x4000  }
0x91: {  	[sflag:s0] =	ssyncset.done @!p0 $0x0  }
0x92: {  	[sflag:s0] =	ssyncadd.s32 @!p0 $0xFFFFC000  }
0x93: {  	[spmem:s3] =	stream.indirect.scatter.add.f32 [tilespmem:s24], [sflag:$0x5], $0x80, s19, s17, $0xb8;
	[tilespmem:$0x1C200] =	vst v63  }
0x94: {  	p0 =	sge.u32 s29, s11;
	_ =	swait.ge [sflag:s16], $0x4000  }
0x95: {  	s0 =	sadd.s32 @!p0 s28, s7;
	s29 =	simm.s32 @!p0 $0x0;
	[sflag:s16] =	ssyncset.done $0x0  }
0x96: {  	s30 =	simm.s32 @!p0 $0x100;
	s0 =	sadd.s32 @!p0 $0x30, s0;
	[sflag:s16] =	ssyncadd.s32 $0xFFFFC000  }
0x97: {  	[tilespmem:s30], [sflag:$0x2] =	stream.linear.gather @!p0 [hbm4b:s0+s29], $0x80, $0x38;
	[tilespmem:$0x1C200] =	vst v63  }
0x98: {  	s0 =	sadd.s32 @!p0 s28, s8  }
0x99: {  	s26 =	sadd.s32 $0x1, s26;
	s28 =	simm.s32 @!p0 $0x180;
	s0 =	sadd.s32 @!p0 $0x30, s0  }
0x9a: {  	[tilespmem:s28], [sflag:$0x2] =	stream.linear.gather @!p0 [hbm4b:s0+s29], $0x80, $0x38;
	[tilespmem:$0x1C200] =	vst v63  }
0x9b: {  	p0 =	sne.s32 s26, s13  }
.Ltmp2:
0x9c: {  	[bflag:$0x0] =	sbarrier.arrive $0xFFFF;
	(pc) =	sbr.rel @p0 .LBB2_1-.Ltmp2, $4  }
0x9d: {  	[hbm:s12], [sflag:s6] =	dma.local [spmem:s15], $0x2800  }
0x9e: {  	_ =	swait.ge [sflag:s16], $0x2800  }
0x9f: {  	[sflag:s16] =	ssyncset.done $0x0  }
0xa0: {  	[sflag:s16] =	ssyncadd.s32 $0xFFFFD800  }
0xa1: {  	_ =	sfence.sel $0x180000  }
0xa2: {  	[bflag:$0x0] =	sbarrier.arrive $0xFFFF  }
0xa3: {  	_ =	strace $0x90000047  }
0xa4: {  	[bflag:$0x2] =	sbarrier.arrive $0xFFFF  }
0xa5: {  	p0 =	sne.s32 s1, $0x0;
	s0 =	rddreg [dreg:$0x3]  }
0xa6: {  	s0 =	sadd.s32 @!p0 $0x100000, s0  }
0xa7: {  	[sflag:s0] =	ssyncadd.tile.s32 @!p0 $0x1;
	_ =	shalt  }
.Lfunc_end2:
_tile_overlayer_lowered:
.L_overlay_start_2:
0xa8: {  	(tag) =	ssettag $0x2  }
0xa9: {  	s0 =	rddreg [dreg:$0x0];
	s2 =	stileid.u32  }
0xaa: {  	s1 =	rddreg [dreg:$0x1];
	p0 =	sne.s32 s2, $0x0  }
0xab: {  	s3 =	rddreg [dreg:$0x2];
	[bflag:$0x3] =	sbarrier.arrive $0xFFFF;
	s2 =	simm.s32 @!p0 $0x1C05  }
0xac: {  	[timem:s3], [sflag:s2] =	dma.local @!p0 [hbm:s0], s1  }
0xad: {  	s0 =	simm.s32 @!p0 $0x5  }
0xae: {  	_ =	swait.ge @!p0 [sflag:s0], s1  }
0xaf: {  	s1 =	ssub.s32 @!p0 $0x0, s1;
	[sflag:s0] =	ssyncset.done @!p0 $0x0  }
0xb0: {  	[sflag:s0] =	ssyncadd.s32 @!p0 s1  }
0xb1: {  	[bflag:$0x3] =	sbarrier.arrive $0xFFFF  }
0xb2: {  	_ =	shalt  }

// kernel: kernel.9.cloned.1.call-start
scs
__scs_entry_jumppad:
0x0: {  	(pc) =	sbr.rel $0x88, $3  }
0x1: {  	(tag) =	ssettag $0x0;
	lr =	simm.s32 $0x1  }
0x2: {  	[smem:$0x3F96] =	sst lr;
	_ =	strace $0xD0000000  }
0x3: {  	_ = 	snop  }
0x4: {  	_ = 	snop  }
0x5: {  	_ = 	snop  }
0x6: {  	_ = 	snop  }
0x7: {  	_ = 	snop  }
__scs_overlays_trampoline_lowered:
0x8: {  	[smem:$0x3FA5] =	sst s0  }
0x9: {  	[smem:$0x3FA6] =	sst s1  }
0xa: {  	[smem:$0x3FA7] =	sst s2  }
0xb: {  	[smem:$0x3FA8] =	sst s3  }
0xc: {  	[smem:$0x3FA9] =	sst s4  }
0xd: {  	[smem:$0x3FAA] =	sst s5  }
0xe: {  	[smem:$0x3FAB] =	sst s6  }
0xf: {  	[smem:$0x3FAC] =	sst s7  }
0x10: {  	[smem:$0x3FAD] =	sst s8  }
0x11: {  	[smem:$0x3FAE] =	sst s9;
	s0 =	simm.s32 @!p0 $0x0  }
0x12: {  	s1 =	sld [smem:$0x3F94];
	s0 =	simm.s32 @p0 $0x1  }
0x13: {  	[smem:$0x3FAF] =	sst s0;
	s0 =	simm.s32 @!p1 $0x0  }
0x14: {  	s2 =	sld [smem:$0x3F93];
	s0 =	simm.s32 @p1 $0x1  }
0x15: {  	[smem:$0x3FB0] =	sst s0;
	s0 =	simm.s32 @!p2 $0x0  }
0x16: {  	s3 =	sld [smem:$0x3FDB];
	s0 =	simm.s32 @p2 $0x1  }
0x17: {  	s4 =	simm.s32 $0x1BF5;
	[smem:$0x3FB2] =	sst s0  }
0x18: {  	s0 =	sld [smem:$0x3F95];
	_ =	swait.ge [sflag:s4], $0x0  }
0x19: {  	s7 =	sld [smem:$0x3F96]  }
0x1a: {  	s8 =	sadd.s32 $0xFFFFE003, lr  }
0x1b: {  	s9 =	sadd.s32 $0xFFFFFEF7, lr;
	s5 =	simm.s32 $0xFFFFFFFF;
	p2 =	slt.u32 s8, $0xFFFFF086  }
0x1c: {  	p1 =	slt.u32 s9, $0xF7A;
	s5 =	simm.s32 @!p2 $0x0  }
0x1d: {  	s5 =	simm.s32 @p1 $0x1;
	p0 =	seq.s32 s7, s2  }
0x1e: {  	s7 =	smul.u32 @!p0 $0xF7A, s2;
	p2 =	seq.s32 @!p0 s5, $0x0  }
0x1f: {  	s9 =	smul.u32 $0xF7A, s1;
	s8 =	simm.s32 @!p0 $0x1BF5;
	p2 =	por !p2, p0  }
0x20: {  	[sflag:s8] =	ssyncset.s32 @!p0 $0xFFFFF086;
	s6 =	sadd.s32 @!p0 s3, s7;
	s7 =	simm.s32 @!p0 $0x108  }
0x21: {  	s3 =	sadd.s32 s3, s9;
	s6 =	sadd.s32 @!p0 $0x88, s6;
	s7 =	simm.s32 @p2 $0x1082  }
0x22: {  	[simem:s7], [sflag:s8] =	dma.local @!p0 [hbm:s6], $0xF7A  }
0x23: {  	s9 =	sor.u32 $0xD0000000, s2;
	s6 =	simm.s32 $0x108;
	_ =	swait.ge @!p0 [sflag:s8], $0x0  }
0x24: {  	s3 =	sadd.s32 $0x88, s3;
	s6 =	simm.s32 @!p1 $0x1082;
	[sflag:s4] =	ssyncset.s32 $0xFFFFF086  }
0x25: {  	[simem:s6], [sflag:s4] =	dma.local [hbm:s3], $0xF7A  }
0x26: {  	[smem:$0x3F96] =	sst s1;
	(tag) =	ssettag s2;
	_ =	strace s9  }
0x27: {  	s1 =	sld [smem:$0x3FA6]  }
0x28: {  	s2 =	sld [smem:$0x3FA7]  }
0x29: {  	s4 =	sld [smem:$0x3FA9]  }
0x2a: {  	p0 =	seq.s32 s5, $0x0;
	s5 =	sld [smem:$0x3FAA]  }
0x2b: {  	s6 =	sld [smem:$0x3FAB]  }
0x2c: {  	s7 =	sld [smem:$0x3FAC]  }
0x2d: {  	s3 =	simm.s32 $0x108;
	s8 =	sld [smem:$0x3FAD]  }
0x2e: {  	s3 =	simm.s32 @!p0 $0x1082;
	s9 =	sld [smem:$0x3FAE]  }
0x2f: {  	lr =	sadd.s32 s0, s3;
	s0 =	sld [smem:$0x3FA5]  }
0x30: {  	s3 =	sld [smem:$0x3FA8]  }
0x31: {  	[smem:$0x3FB1] =	sst s10  }
0x32: {  	s10 =	sld [smem:$0x3FAF];
	_ =	sdelay $0x3  }
0x33: {  	p0 =	seq.s32 s10, $0x1;
	s10 =	sld [smem:$0x3FB1];
	_ =	sdelay $0x3  }
0x34: {  	[smem:$0x3FB1] =	sst s10  }
0x35: {  	s10 =	sld [smem:$0x3FB0];
	_ =	sdelay $0x3  }
0x36: {  	p1 =	seq.s32 s10, $0x1;
	s10 =	sld [smem:$0x3FB1];
	_ =	sdelay $0x3  }
0x37: {  	[smem:$0x3FB1] =	sst s10  }
0x38: {  	s10 =	sld [smem:$0x3FB2]  }
0x39: {  	_ = 	snop;
	(pc) =	sbr.ind lr, $3  }
0x3a: {  	_ = 	snop  }
0x3b: {  	_ = 	snop  }
0x3c: {  	p2 =	seq.s32 s10, $0x1;
	s10 =	sld [smem:$0x3FB1]  }
0x3d: {  	_ =	shalt  }
0x3e: {  	_ =	shalt  }
0x3f: {  	_ =	shalt  }
0x40: {  	_ =	shalt  }
0x41: {  	_ =	shalt  }
0x42: {  	_ =	shalt  }
0x43: {  	_ =	shalt  }
0x44: {  	_ =	shalt  }
0x45: {  	_ =	shalt  }
0x46: {  	_ =	shalt  }
0x47: {  	_ =	shalt  }
0x48: {  	_ =	shalt  }
0x49: {  	_ =	shalt  }
0x4a: {  	_ =	shalt  }
0x4b: {  	_ =	shalt  }
0x4c: {  	_ =	shalt  }
0x4d: {  	_ =	shalt  }
0x4e: {  	_ =	shalt  }
0x4f: {  	_ =	shalt  }
0x50: {  	_ =	shalt  }
0x51: {  	_ =	shalt  }
0x52: {  	_ =	shalt  }
0x53: {  	_ =	shalt  }
0x54: {  	_ =	shalt  }
0x55: {  	_ =	shalt  }
0x56: {  	_ =	shalt  }
0x57: {  	_ =	shalt  }
0x58: {  	_ =	shalt  }
0x59: {  	_ =	shalt  }
0x5a: {  	_ =	shalt  }
0x5b: {  	_ =	shalt  }
0x5c: {  	_ =	shalt  }
0x5d: {  	_ =	shalt  }
0x5e: {  	_ =	shalt  }
0x5f: {  	_ =	shalt  }
0x60: {  	_ =	shalt  }
0x61: {  	_ =	shalt  }
0x62: {  	_ =	shalt  }
0x63: {  	_ =	shalt  }
0x64: {  	_ =	shalt  }
0x65: {  	_ =	shalt  }
0x66: {  	_ =	shalt  }
0x67: {  	_ =	shalt  }
0x68: {  	_ =	shalt  }
0x69: {  	_ =	shalt  }
0x6a: {  	_ =	shalt  }
0x6b: {  	_ =	shalt  }
0x6c: {  	_ =	shalt  }
0x6d: {  	_ =	shalt  }
0x6e: {  	_ =	shalt  }
0x6f: {  	_ =	shalt  }
0x70: {  	_ =	shalt  }
0x71: {  	_ =	shalt  }
0x72: {  	_ =	shalt  }
0x73: {  	_ =	shalt  }
0x74: {  	_ =	shalt  }
0x75: {  	_ =	shalt  }
0x76: {  	_ =	shalt  }
0x77: {  	_ =	shalt  }
0x78: {  	_ =	shalt  }
0x79: {  	_ =	shalt  }
0x7a: {  	_ =	shalt  }
0x7b: {  	_ =	shalt  }
0x7c: {  	_ =	shalt  }
0x7d: {  	_ =	shalt  }
0x7e: {  	_ =	shalt  }
0x7f: {  	_ =	shalt  }
0x80: {  	_ =	shalt  }
0x81: {  	_ =	shalt  }
0x82: {  	_ =	shalt  }
0x83: {  	_ =	shalt  }
0x84: {  	_ =	shalt  }
0x85: {  	_ =	shalt  }
0x86: {  	_ =	shalt  }
0x87: {  	_ =	shalt  }
.Lfunc_end0:
.L_simem_size_0:
called_computation.1_lowered:
.L_overlay_start_0:
0x88: {  	s2 =	sld [smem:$0x3FD9]  }
0x89: {  	s3 =	sld [smem:$0x3FFE];
	_ =	sdelay $0x1  }
0x8a: {  	s1 =	srdreg.scid  }
0x8b: {  	s0 =	sand.u32 $0x1, s1  }
0x8c: {  	s16 =	sshll.u32 s0, $0xA;
	s2 =	sadd.s32 s3, s2  }
0x8d: {  	s2 =	sadd.s32 s2, s16  }
0x8e: {  	[smem:$0x3FBD] =	sst s2  }
0x8f: {  	_ = 	snop  }
0x90: {  	(tm) =	ssettm $0x1  }
0x91: {  	s17 =	sld [smem:$0x3FFB];
	_ =	sdelay $0x3  }
0x92: {  	_ =	strace s17  }
0x93: {  	s2 =	sld [smem:$0x3FFC];
	_ =	sdelay $0x3  }
0x94: {  	_ =	strace s2  }
0x95: {  	s2 =	sld [smem:$0x3FFD];
	_ =	sdelay $0x3  }
0x96: {  	_ =	strace s2  }
0x97: {  	_ =	strace $0x8FFFFFFF  }
0x98: {  	s18 =	sld [smem:$0x3FDB];
	_ =	sdelay $0x1  }
0x99: {  	s19 =	simm.s32 $_scs_section_size  }
0x9a: {  	s4 =	simm.s32 $_size__tile_overlayer_lowered;
	s5 =	simm.s32 $_tile_overlayer_lowered  }
0x9b: {  	s22 =	simm.s32 $0x1BFF;
	s21 =	sshll.u32 s5, $0x1;
	s2 =	sadd.s32 s19, s18  }
0x9c: {  	s6 =	simm.s32 $0x0;
	s20 =	sshll.u32 s4, $0x1;
	s4 =	sadd.s32 s21, s2  }
0x9d: {  	[timem:s6], [sflag:s22] =	dma.local [hbm:s4], s20  }
0x9e: {  	_ =	swait.ge [sflag:s22], s20  }
0x9f: {  	s3 =	ssub.s32 $0x0, s20;
	[sflag:s22] =	ssyncset.done $0x0  }
0xa0: {  	[sflag:s22] =	ssyncadd.s32 s3;
	_ =	sdelay $0x1  }
0xa1: {  	s23 =	simm.s32 $0x1B8B  }
0xa2: {  	_ =	swait.ge [sflag:s23], $0x1  }
0xa3: {  	[sflag:s23] =	ssyncset.done $0x0  }
0xa4: {  	s25 =	simm.s32 $0x1B8E;
	s24 =	sld [smem:$0x3FFE];
	[sflag:s23] =	ssyncadd.s32 $0xFFFFFFFF  }
0xa5: {  	s26 =	simm.s32 $execute0_lowered;
	[smem:$0x3FD2] =	sst s25  }
0xa6: {  	s4 =	sshll.u32 s26, $0x1;
	_ =	strace $0x80000049;
	[dreg:$0x1] =	wrdreg $0xFFFFFFFF  }
0xa7: {  	s28 =	simm.s32 $_size_execute0_lowered;
	s2 =	sadd.s32 s2, s4;
	[dreg:$0x0] =	wrdreg $0x0  }
0xa8: {  	s4 =	sshll.u32 s28, $0x1;
	[dreg:$0x2] =	wrdreg s2  }
0xa9: {  	[dreg:$0x3] =	wrdreg s4  }
0xaa: {  	[dreg:$0x4] =	wrdreg $0xC0  }
0xab: {  	_ =	task [dreg:s6], $0x5FFFF  }
0xac: {  	[dreg:$0x1] =	wrdreg $0xFFFFFFFF  }
0xad: {  	[dreg:$0x0] =	wrdreg $0x60  }
0xae: {  	[dreg:$0x2] =	wrdreg s24  }
0xaf: {  	[dreg:$0x3] =	wrdreg $0x82000  }
0xb0: {  	[dreg:$0x4] =	wrdreg $0x9  }
0xb1: {  	_ =	task.clear_ibuf [dreg:s6], $0x5FFFF;
	_ =	strace $0x90000049  }
0xb2: {  	s29 =	simm.s32 $0x9;
	_ =	strace $0x8000004B  }
0xb3: {  	_ =	swait.ge [sflag:s29], $0x1  }
0xb4: {  	[sflag:s29] =	ssyncadd.s32 $0xFFFFFFFF  }
0xb5: {  	_ =	strace $0x9000004B  }
0xb6: {  	_ =	sfence  }
0xb7: {  	s30 =	sld [smem:$0x0];
	_ =	sdelay $0x2  }
0xb8: {  	s31 =	sshll.u32 s1, $0xD;
	s1 =	sshrl.u32 s1, $0x2  }
0xb9: {  	s3 =	sand.u32 $0x4000, s31;
	s1 =	sadd.s32 s1, s30  }
0xba: {  	s0 =	sor.u32 s3, s0;
	s1 =	sshll.u32 s1, $0x11  }
0xbb: {  	s0 =	sor.u32 s1, s0  }
0xbc: {  	s0 =	sadd.s32 $0x8F2B, s0  }
0xbd: {  	[sflag:s0] =	ssyncadd.remote.s32 $0x1  }
0xbe: {  	_ =	sfence.sel $0xFFFF  }
0xbf: {  	[dreg:$0x0] =	wrdreg $0xFFFFFFFF;
	(pc) =	sbr.abs _section_cstart, $3  }
0xc0: {  	[dreg:$0x1] =	wrdreg $0xFFFFFFFF  }
0xc1: {  	_ =	task.clear_ibuf [dreg:s6], $0x2FFFF;
	_ =	strace $0x9FFFFFFF  }
0xc2: {  	(tm) =	ssettm $0x7FFFFFFF  }
0xc3: {  	_ =	shalt  }
tec
execute0_lowered:
.L_overlay_start_1:
0x0: {  	(tag) =	ssettag $0x1  }
0x1: {  	s5 =	rddreg [dreg:$0x0]  }
0x2: {  	s2 =	rddreg [dreg:$0x1];
	s3 =	simm.s32 $0x0  }
0x3: {  	s1 =	stileid.u32;
	s4 =	srdreg.scid;
	s17 =	simm.s32 $0x80  }
0x4: {  	s18 =	simm.s32 $0x100;
	s19 =	simm.s32 $0x180;
	s20 =	simm.s32 $0x1  }
0x5: {  	s21 =	simm.s32 $0x200;
	s22 =	simm.s32 $0x3;
	s23 =	simm.s32 $0x2  }
0x6: {  	s24 =	simm.s32 $0x4200;
	[smem:$0x7FF] =	sst s3;
	s6 =	smul.u32 $0x14000, s1  }
0x7: {  	s7 =	sand.u32 $0x1, s4;
	s4 =	sadd.s32 $0x3E600, s5;
	s12 =	smul.u32 $0x50000, s1  }
0x8: {  	s10 =	sadd.s32 $0xC800, s5;
	s11 =	sadd.s32 $0x2A00, s5;
	s14 =	smul.u32 $0x30, s1  }
0x9: {  	s28 =	sshll.u32 s1, $0x6;
	_ =	strace $0x8000004A;
	s9 =	smul.u32 $0x140000, s7  }
0xa: {  	s25 =	ssub.s32 $0x2, s7;
	p0 =	seq.s32 s7, $0x0;
	s8 =	sshrl.u32 s6, $0x3  }
0xb: {  	s13 =	sshrl.u32 s25, $0x1;
	s26 =	sshrl.u32 s12, $0x2;
	s7 =	sadd.s32 $0x6E0, s14  }
0xc: {  	s12 =	simm.s32 $0x37;
	s8 =	sadd.s32 s8, s5;
	s6 =	sadd.s32 s6, s9  }
0xd: {  	s13 =	ssub.s32 s25, s13;
	s16 =	sadd.s32 s26, s2;
	s6 =	sshrl.u32 s6, $0x3  }
0xe: {  	s12 =	simm.s32 @!p0 $0x18;
	s15 =	sadd.s32 s6, s5;
	s6 =	smul.u32 $0x6E, s1  }
0xf: {  	s25 =	simm.s32 $0x4;
	s26 =	simm.s32 $0x0;
	s31 =	sshll.u32 s12, $0x5  }
0x10: {  	s13 =	smax.u32 s13, $0x1;
	s5 =	sadd.s32 $0x16600, s8;
	s7 =	smov.u32 @p0 s6  }
0x11: {  	s14 =	sadd.s32 $0xFFFFFFE0, s31;
	s6 =	sor.u32 $0x1C05, s28;
	s29 =	sshll.u32 s7, $0x4  }
0x12: {  	s30 =	sor.u32 $0x10, s29;
	s7 =	sadd.s32 s10, s29;
	s8 =	sadd.s32 s11, s29  }
0x13: {  	s9 =	sadd.s32 s10, s30;
	s10 =	sadd.s32 s11, s30;
	s11 =	sadd.s32 $0xFFFFFFFF, s12  }
0x14: {  	s12 =	sadd.s32 $0x65800, s15;
	s15 =	sshrl.u32 s16, $0x3;
	s16 =	simm.s32 $0x5  }
.LBB2_1:
0x15: {  	[spmem:s15], [sflag:s6] =	dma.local [hbm:s5], $0x2800  }
0x16: {  	_ =	swait.ge [sflag:s16], $0x2800  }
0x17: {  	[sflag:s16] =	ssyncset.done $0x0  }
0x18: {  	[sflag:s16] =	ssyncadd.s32 $0xFFFFD800  }
0x19: {  	[bflag:$0x0] =	sbarrier.arrive $0xFFFF  }
0x1a: {  	[tilespmem:s3], [sflag:$0x1] =	stream.linear.gather [hbm4b:s7+s3], $0x80, $0x38;
	[tilespmem:$0x1C200] =	vst v63  }
0x1b: {  	_ = 	snop  }
0x1c: {  	[tilespmem:s17], [sflag:$0x1] =	stream.linear.gather [hbm4b:s8+s3], $0x80, $0x38;
	[tilespmem:$0x1C200] =	vst v63  }
0x1d: {  	_ = 	snop  }
0x1e: {  	[tilespmem:s18], [sflag:$0x2] =	stream.linear.gather [hbm4b:s9+s3], $0x80, $0x38;
	[tilespmem:$0x1C200] =	vst v63  }
0x1f: {  	_ = 	snop  }
0x20: {  	[tilespmem:s19], [sflag:$0x2] =	stream.linear.gather [hbm4b:s10+s3], $0x80, $0x38;
	[tilespmem:$0x1C200] =	vst v63  }
0x21: {  	_ =	swait.ge [sflag:s20], $0x80  }
0x22: {  	[sflag:s20] =	ssyncset.done $0x0  }
0x23: {  	[sflag:s20] =	ssyncadd.s32 $0xFFFFFF80  }
0x24: {  	_ =	swait.ge [sflag:s20], $0x80  }
0x25: {  	[sflag:s20] =	ssyncset.done $0x0  }
0x26: {  	[sflag:s20] =	ssyncadd.s32 $0xFFFFFF80  }
0x27: {  	[tilespmem:s21], [sflag:$0x3] =	stream.indirect.gather [hbm4b:s4+s17], $0x80, s3, s17, $0xb8;
	[tilespmem:$0x1C200] =	vst v63  }
0x28: {  	_ =	swait.ge [sflag:s22], $0x4000  }
0x29: {  	[sflag:s22] =	ssyncset.done $0x0  }
0x2a: {  	[sflag:s22] =	ssyncadd.s32 $0xFFFFC000  }
0x2b: {  	_ =	swait.ge [sflag:s23], $0x80  }
0x2c: {  	[sflag:s23] =	ssyncset.done $0x0  }
0x2d: {  	[sflag:s23] =	ssyncadd.s32 $0xFFFFFF80  }
0x2e: {  	_ =	swait.ge [sflag:s23], $0x80  }
0x2f: {  	[sflag:s23] =	ssyncset.done $0x0  }
0x30: {  	[sflag:s23] =	ssyncadd.s32 $0xFFFFFF80  }
0x31: {  	[tilespmem:s24], [sflag:$0x4] =	stream.indirect.gather [hbm4b:s4+s17], $0x80, s18, s17, $0xb8;
	[tilespmem:$0x1C200] =	vst v63  }
0x32: {  	_ = 	snop  }
0x33: {  	[spmem:s2] =	stream.indirect.scatter.add.f32 [tilespmem:s21], [sflag:$0x5], $0x80, s17, s17, $0xb8;
	[tilespmem:$0x1C200] =	vst v63  }
0x34: {  	_ =	swait.ge [sflag:s16], $0x4000  }
0x35: {  	s28 =	sadd.s32 $0x0, s7;
	[sflag:s16] =	ssyncset.done $0x0  }
0x36: {  	s30 =	sadd.s32 $0x0, s8;
	s29 =	sadd.s32 $0x20, s28;
	[sflag:s16] =	ssyncadd.s32 $0xFFFFC000  }
0x37: {  	[tilespmem:s3], [sflag:$0x1] =	stream.linear.gather [hbm4b:s29+s3], $0x80, $0x38;
	[tilespmem:$0x1C200] =	vst v63  }
0x38: {  	s29 =	sadd.s32 $0x20, s30  }
0x39: {  	[tilespmem:s17], [sflag:$0x1] =	stream.linear.gather [hbm4b:s29+s3], $0x80, $0x38;
	[tilespmem:$0x1C200] =	vst v63  }
0x3a: {  	_ =	swait.ge [sflag:s25], $0x4000  }
0x3b: {  	[sflag:s25] =	ssyncset.done $0x0  }
0x3c: {  	[sflag:s25] =	ssyncadd.s32 $0xFFFFC000  }
0x3d: {  	_ =	swait.ge [sflag:s20], $0x80  }
0x3e: {  	[sflag:s20] =	ssyncset.done $0x0  }
0x3f: {  	[sflag:s20] =	ssyncadd.s32 $0xFFFFFF80  }
0x40: {  	_ =	swait.ge [sflag:s20], $0x80  }
0x41: {  	[sflag:s20] =	ssyncset.done $0x0  }
0x42: {  	[sflag:s20] =	ssyncadd.s32 $0xFFFFFF80  }
0x43: {  	[tilespmem:s21], [sflag:$0x3] =	stream.indirect.gather [hbm4b:s4+s17], $0x80, s3, s17, $0xb8;
	[tilespmem:$0x1C200] =	vst v63  }
0x44: {  	p0 =	sne.s32 s14, $0x20  }
0x45: {  	[spmem:s2] =	stream.indirect.scatter.add.f32 [tilespmem:s24], [sflag:$0x5], $0x80, s19, s17, $0xb8;
	[tilespmem:$0x1C200] =	vst v63  }
.Ltmp0:
0x46: {  	_ =	swait.ge [sflag:s16], $0x4000;
	(pc) =	sbr.rel @!p0 .LBB2_3-.Ltmp0, $4  }
0x47: {  	[sflag:s16] =	ssyncset.done $0x0  }
0x48: {  	s28 =	sadd.s32 $0x30, s28;
	[sflag:s16] =	ssyncadd.s32 $0xFFFFC000  }
0x49: {  	[tilespmem:s18], [sflag:$0x2] =	stream.linear.gather [hbm4b:s28+s3], $0x80, $0x38;
	[tilespmem:$0x1C200] =	vst v63  }
0x4a: {  	s30 =	sadd.s32 $0x30, s30;
	s29 =	simm.s32 $0x1;
	s28 =	simm.s32 $0x20  }
.LBB2_2:
0x4b: {  	[tilespmem:s19], [sflag:$0x2] =	stream.linear.gather [hbm4b:s30+s3], $0x80, $0x38;
	[tilespmem:$0x1C200] =	vst v63  }
0x4c: {  	s30 =	smov.u32 s28;
	s28 =	sadd.s32 $0x20, s28;
	_ =	swait.ge [sflag:s22], $0x4000  }
0x4d: {  	p0 =	sne.s32 s14, s28;
	[sflag:s22] =	ssyncset.done $0x0  }
0x4e: {  	[sflag:s22] =	ssyncadd.s32 $0xFFFFC000  }
0x4f: {  	_ =	swait.ge [sflag:s23], $0x80  }
0x50: {  	[sflag:s23] =	ssyncset.done $0x0  }
0x51: {  	[sflag:s23] =	ssyncadd.s32 $0xFFFFFF80  }
0x52: {  	_ =	swait.ge [sflag:s23], $0x80  }
0x53: {  	[sflag:s23] =	ssyncset.done $0x0  }
0x54: {  	[sflag:s23] =	ssyncadd.s32 $0xFFFFFF80  }
0x55: {  	[tilespmem:s24], [sflag:$0x4] =	stream.indirect.gather [hbm4b:s4+s17], $0x80, s18, s17, $0xb8;
	[tilespmem:$0x1C200] =	vst v63  }
0x56: {  	_ = 	snop  }
0x57: {  	[spmem:s2] =	stream.indirect.scatter.add.f32 [tilespmem:s21], [sflag:$0x5], $0x80, s17, s17, $0xb8;
	[tilespmem:$0x1C200] =	vst v63  }
0x58: {  	_ =	swait.ge [sflag:s16], $0x4000  }
0x59: {  	s31 =	sadd.s32 s30, s7;
	[sflag:s16] =	ssyncset.done $0x0  }
0x5a: {  	s30 =	sadd.s32 s30, s8;
	s0 =	sadd.s32 $0x20, s31;
	[sflag:s16] =	ssyncadd.s32 $0xFFFFC000  }
0x5b: {  	[tilespmem:s3], [sflag:$0x1] =	stream.linear.gather [hbm4b:s0+s3], $0x80, $0x38;
	[tilespmem:$0x1C200] =	vst v63  }
0x5c: {  	s0 =	sadd.s32 $0x20, s30  }
0x5d: {  	[tilespmem:s17], [sflag:$0x1] =	stream.linear.gather [hbm4b:s0+s3], $0x80, $0x38;
	[tilespmem:$0x1C200] =	vst v63  }
0x5e: {  	_ =	swait.ge [sflag:s25], $0x4000  }
0x5f: {  	[sflag:s25] =	ssyncset.done $0x0  }
0x60: {  	[sflag:s25] =	ssyncadd.s32 $0xFFFFC000  }
0x61: {  	_ =	swait.ge [sflag:s20], $0x80  }
0x62: {  	[sflag:s20] =	ssyncset.done $0x0  }
0x63: {  	[sflag:s20] =	ssyncadd.s32 $0xFFFFFF80  }
0x64: {  	_ =	swait.ge [sflag:s20], $0x80  }
0x65: {  	[sflag:s20] =	ssyncset.done $0x0  }
0x66: {  	[sflag:s20] =	ssyncadd.s32 $0xFFFFFF80  }
0x67: {  	[tilespmem:s21], [sflag:$0x3] =	stream.indirect.gather [hbm4b:s4+s17], $0x80, s3, s17, $0xb8;
	[tilespmem:$0x1C200] =	vst v63  }
0x68: {  	_ = 	snop  }
0x69: {  	[spmem:s2] =	stream.indirect.scatter.add.f32 [tilespmem:s24], [sflag:$0x5], $0x80, s19, s17, $0xb8;
	[tilespmem:$0x1C200] =	vst v63  }
.Ltmp1:
0x6a: {  	_ =	swait.ge [sflag:s16], $0x4000;
	(pc) =	sbr.rel @p0 .LBB2_2-.Ltmp1, $4  }
0x6b: {  	[sflag:s16] =	ssyncset.done $0x0  }
0x6c: {  	s0 =	sadd.s32 $0x30, s31;
	[sflag:s16] =	ssyncadd.s32 $0xFFFFC000  }
0x6d: {  	[tilespmem:s18], [sflag:$0x2] =	stream.linear.gather [hbm4b:s0+s3], $0x80, $0x38;
	[tilespmem:$0x1C200] =	vst v63  }
0x6e: {  	s29 =	sadd.s32 $0x1, s29;
	s30 =	sadd.s32 $0x30, s30  }
.LBB2_3:
0x6f: {  	[tilespmem:s19], [sflag:$0x2] =	stream.linear.gather [hbm4b:s30+s3], $0x80, $0x38;
	[tilespmem:$0x1C200] =	vst v63  }
0x70: {  	_ =	swait.ge [sflag:s22], $0x4000  }
0x71: {  	[sflag:s22] =	ssyncset.done $0x0  }
0x72: {  	[sflag:s22] =	ssyncadd.s32 $0xFFFFC000  }
0x73: {  	_ =	swait.ge [sflag:s23], $0x80  }
0x74: {  	[sflag:s23] =	ssyncset.done $0x0  }
0x75: {  	[sflag:s23] =	ssyncadd.s32 $0xFFFFFF80  }
0x76: {  	_ =	swait.ge [sflag:s23], $0x80  }
0x77: {  	[sflag:s23] =	ssyncset.done $0x0  }
0x78: {  	[sflag:s23] =	ssyncadd.s32 $0xFFFFFF80  }
0x79: {  	[tilespmem:s24], [sflag:$0x4] =	stream.indirect.gather [hbm4b:s4+s17], $0x80, s18, s17, $0xb8;
	[tilespmem:$0x1C200] =	vst v63  }
0x7a: {  	_ = 	snop  }
0x7b: {  	[spmem:s2] =	stream.indirect.scatter.add.f32 [tilespmem:s21], [sflag:$0x5], $0x80, s17, s17, $0xb8;
	[tilespmem:$0x1C200] =	vst v63  }
0x7c: {  	p0 =	slt.u32 s29, s11;
	_ =	swait.ge [sflag:s16], $0x4000  }
0x7d: {  	s0 =	sadd.s32 @p0 s28, s7;
	[sflag:s16] =	ssyncset.done $0x0  }
0x7e: {  	s30 =	simm.s32 @p0 $0x0;
	s0 =	sadd.s32 @p0 $0x20, s0;
	[sflag:s16] =	ssyncadd.s32 $0xFFFFC000  }
0x7f: {  	[tilespmem:s30], [sflag:$0x1] =	stream.linear.gather @p0 [hbm4b:s0+s30], $0x80, $0x38;
	[tilespmem:$0x1C200] =	vst v63  }
0x80: {  	s0 =	sadd.s32 @p0 s28, s8  }
0x81: {  	s31 =	simm.s32 @p0 $0x80;
	s0 =	sadd.s32 @p0 $0x20, s0  }
0x82: {  	[tilespmem:s31], [sflag:$0x1] =	stream.linear.gather @p0 [hbm4b:s0+s30], $0x80, $0x38;
	[tilespmem:$0x1C200] =	vst v63  }
0x83: {  	s0 =	simm.s32 @p0 $0x4  }
0x84: {  	_ =	swait.ge @p0 [sflag:s0], $0x4000  }
0x85: {  	[sflag:s0] =	ssyncset.done @p0 $0x0  }
0x86: {  	[sflag:s0] =	ssyncadd.s32 @p0 $0xFFFFC000;
	s0 =	simm.s32 @p0 $0x1  }
0x87: {  	_ =	swait.ge @p0 [sflag:s0], $0x80  }
0x88: {  	[sflag:s0] =	ssyncset.done @p0 $0x0  }
0x89: {  	[sflag:s0] =	ssyncadd.s32 @p0 $0xFFFFFF80  }
0x8a: {  	_ =	swait.ge @p0 [sflag:s0], $0x80  }
0x8b: {  	[sflag:s0] =	ssyncset.done @p0 $0x0  }
0x8c: {  	[sflag:s0] =	ssyncadd.s32 @p0 $0xFFFFFF80;
	s0 =	simm.s32 @p0 $0x200  }
0x8d: {  	[tilespmem:s0], [sflag:$0x3] =	stream.indirect.gather @p0 [hbm4b:s4+s31], $0x80, s30, s31, $0xb8;
	[tilespmem:$0x1C200] =	vst v63  }
0x8e: {  	s0 =	simm.s32 @!p0 $0x4  }
0x8f: {  	_ =	swait.ge @!p0 [sflag:s0], $0x4000  }
0x90: {  	[sflag:s0] =	ssyncset.done @!p0 $0x0  }
0x91: {  	[sflag:s0] =	ssyncadd.s32 @!p0 $0xFFFFC000  }
0x92: {  	[spmem:s2] =	stream.indirect.scatter.add.f32 [tilespmem:s24], [sflag:$0x5], $0x80, s19, s17, $0xb8;
	[tilespmem:$0x1C200] =	vst v63  }
0x93: {  	p0 =	sge.u32 s29, s11;
	_ =	swait.ge [sflag:s16], $0x4000  }
0x94: {  	s0 =	sadd.s32 @!p0 s28, s7;
	s29 =	simm.s32 @!p0 $0x0;
	[sflag:s16] =	ssyncset.done $0x0  }
0x95: {  	s30 =	simm.s32 @!p0 $0x100;
	s0 =	sadd.s32 @!p0 $0x30, s0;
	[sflag:s16] =	ssyncadd.s32 $0xFFFFC000  }
0x96: {  	[tilespmem:s30], [sflag:$0x2] =	stream.linear.gather @!p0 [hbm4b:s0+s29], $0x80, $0x38;
	[tilespmem:$0x1C200] =	vst v63  }
0x97: {  	s0 =	sadd.s32 @!p0 s28, s8  }
0x98: {  	s26 =	sadd.s32 $0x1, s26;
	s28 =	simm.s32 @!p0 $0x180;
	s0 =	sadd.s32 @!p0 $0x30, s0  }
0x99: {  	[tilespmem:s28], [sflag:$0x2] =	stream.linear.gather @!p0 [hbm4b:s0+s29], $0x80, $0x38;
	[tilespmem:$0x1C200] =	vst v63  }
0x9a: {  	p0 =	sne.s32 s26, s13  }
.Ltmp2:
0x9b: {  	[bflag:$0x0] =	sbarrier.arrive $0xFFFF;
	(pc) =	sbr.rel @p0 .LBB2_1-.Ltmp2, $4  }
0x9c: {  	[hbm:s12], [sflag:s6] =	dma.local [spmem:s15], $0x2800  }
0x9d: {  	_ =	swait.ge [sflag:s16], $0x2800  }
0x9e: {  	[sflag:s16] =	ssyncset.done $0x0  }
0x9f: {  	[sflag:s16] =	ssyncadd.s32 $0xFFFFD800  }
0xa0: {  	_ =	sfence.sel $0x180000  }
0xa1: {  	[bflag:$0x0] =	sbarrier.arrive $0xFFFF  }
0xa2: {  	_ =	strace $0x9000004A  }
0xa3: {  	[bflag:$0x2] =	sbarrier.arrive $0xFFFF  }
0xa4: {  	p0 =	sne.s32 s1, $0x0;
	s0 =	rddreg [dreg:$0x2]  }
0xa5: {  	s0 =	sadd.s32 @!p0 $0x100000, s0  }
0xa6: {  	[sflag:s0] =	ssyncadd.tile.s32 @!p0 $0x1;
	_ =	shalt  }
.Lfunc_end2:
_tile_overlayer_lowered:
.L_overlay_start_2:
0xa7: {  	(tag) =	ssettag $0x2  }
0xa8: {  	s0 =	rddreg [dreg:$0x0];
	s2 =	stileid.u32  }
0xa9: {  	s1 =	rddreg [dreg:$0x1];
	p0 =	sne.s32 s2, $0x0  }
0xaa: {  	s3 =	rddreg [dreg:$0x2];
	[bflag:$0x3] =	sbarrier.arrive $0xFFFF;
	s2 =	simm.s32 @!p0 $0x1C05  }
0xab: {  	[timem:s3], [sflag:s2] =	dma.local @!p0 [hbm:s0], s1  }
0xac: {  	s0 =	simm.s32 @!p0 $0x5  }
0xad: {  	_ =	swait.ge @!p0 [sflag:s0], s1  }
0xae: {  	s1 =	ssub.s32 @!p0 $0x0, s1;
	[sflag:s0] =	ssyncset.done @!p0 $0x0  }
0xaf: {  	[sflag:s0] =	ssyncadd.s32 @!p0 s1  }
0xb0: {  	[bflag:$0x3] =	sbarrier.arrive $0xFFFF  }
0xb1: {  	_ =	shalt  }

</sc_bundles>
